<compile_context>
chip_gen: v7x
topology: tpu7x:2x2x1
jax: 0.10.2.dev20260603
libtpu: 0.0.44.dev20260713+nightly
codegen_flags: <defaults>
</compile_context>

<pallas_src>
import functools

import numpy as np
import jax
import jax.numpy as jnp
from jax import lax
from jax.experimental import pallas as pl
from jax.experimental.pallas import tpu as pltpu
from jax.experimental.pallas import tpu_sc as plsc

_B = 8


def _interp_mat(h):
    ys = np.linspace(0.0, h - 1, 2 * h, dtype=np.float32)
    y0 = np.floor(ys).astype(np.int32)
    y1 = np.minimum(y0 + 1, h - 1)
    wy = (ys - y0).astype(np.float32)
    m = np.zeros((2 * h, h), dtype=np.float32)
    rows = np.arange(2 * h)
    m[rows, y0] += 1.0 - wy
    m[rows, y1] += wy
    return m


def _lane_gather(x2, idx, cin, cout):
    r = x2.shape[0]
    idxb = jnp.broadcast_to((idx & 127)[None, :], (r, cout))
    hi = idx >> 7
    acc = jnp.take_along_axis(x2[:, 0:128], idxb, axis=1)
    for h in range(1, cin // 128):
        g = jnp.take_along_axis(x2[:, h * 128:(h + 1) * 128], idxb, axis=1)
        sel = jnp.broadcast_to((hi == h)[None, :], (r, cout))
        acc = jnp.where(sel, g, acc)
    return acc


def _gather1(p1, i11):
    def body(x_ref, i_ref, o_ref):
        x2 = x_ref[...].reshape(56 * 56, 256)
        g = _lane_gather(x2, i_ref[...], 256, 256)
        o_ref[...] = g.reshape(1, 56, 56, 256)

    return pl.pallas_call(
        body,
        grid=(_B,),
        in_specs=[
            pl.BlockSpec((1, 56, 56, 256), lambda b: (b, 0, 0, 0)),
            pl.BlockSpec((256,), lambda b: (0,)),
        ],
        out_specs=pl.BlockSpec((1, 56, 56, 256), lambda b: (b, 0, 0, 0)),
        out_shape=jax.ShapeDtypeStruct((_B, 56, 56, 768), jnp.float32),
    )(p1, i11)


def _gather2_only(p2, i12):
    def body(x_ref, i_ref, g_ref):
        x2 = x_ref[...].reshape(28 * 8, 512)
        g_ref[...] = _lane_gather(x2, i_ref[...], 512, 512).reshape(1, 28, 8, 512)

    return pl.pallas_call(
        body,
        grid=(28,),
        in_specs=[
            pl.BlockSpec((1, 28, 8, 512), lambda h: (h, 0, 0, 0)),
            pl.BlockSpec((512,), lambda h: (0,)),
        ],
        out_specs=pl.BlockSpec((1, 28, 8, 512), lambda h: (h, 0, 0, 0)),
        out_shape=jax.ShapeDtypeStruct((28, 28, _B, 512), jnp.float32),
    )(p2, i12)


def _gather3(p3, i23):
    def body(x_ref, i_ref, o_ref):
        x2 = x_ref[...].reshape(14 * 8, 1024)
        g = _lane_gather(x2, i_ref[...], 1024, 512)
        o_ref[...] = g.reshape(1, 14, 8, 512)

    return pl.pallas_call(
        body,
        grid=(14,),
        in_specs=[
            pl.BlockSpec((1, 14, 8, 1024), lambda h: (h, 0, 0, 0)),
            pl.BlockSpec((512,), lambda h: (0,)),
        ],
        out_specs=pl.BlockSpec((1, 14, 8, 512), lambda h: (h, 0, 0, 0)),
        out_shape=jax.ShapeDtypeStruct((14, 14, _B, 512), jnp.float32),
    )(p3, i23)


def _upsample1(g2, o1n_partial):
    m2 = jnp.asarray(_interp_mat(28))

    def body(o_alias_ref, top_ref, bot_ref, m_ref, o_ref):
        del o_alias_ref
        i = pl.program_id(1)
        wy = (((i * 27) % 55).astype(jnp.float32) / 55.0).astype(jnp.float32)
        u = top_ref[0] * (1.0 - wy) + bot_ref[0] * wy
        v = jax.lax.dot_general(m_ref[...], u, (((1,), (0,)), ((), ())),
                                preferred_element_type=jnp.float32)
        o_ref[...] = v.transpose(1, 0, 2).reshape(_B, 1, 56, 256)

    return pl.pallas_call(
        body,
        grid=(2, 56),
        in_specs=[
            pl.BlockSpec(memory_space=pl.ANY),
            pl.BlockSpec((1, 28, 8, 256), lambda cq, i: ((i * 27) // 55, 0, 0, cq)),
            pl.BlockSpec((1, 28, 8, 256),
                         lambda cq, i: (jnp.minimum((i * 27) // 55 + 1, 27), 0, 0, cq)),
            pl.BlockSpec((56, 28), lambda cq, i: (0, 0)),
        ],
        out_specs=pl.BlockSpec((_B, 1, 56, 256), lambda cq, i: (0, i, 0, 1 + cq)),
        out_shape=jax.ShapeDtypeStruct((_B, 56, 56, 768), jnp.float32),
        input_output_aliases={0: 0},
    )(o1n_partial, g2, g2, m2)


def _upsample2(g3, o2n_partial):
    m3 = jnp.asarray(_interp_mat(14))

    def body(o_alias_ref, top_ref, bot_ref, m_ref, o_ref):
        del o_alias_ref
        i = pl.program_id(0)
        wy = (((i * 13) % 27).astype(jnp.float32) / 27.0).astype(jnp.float32)
        u = top_ref[0] * (1.0 - wy) + bot_ref[0] * wy
        v = jax.lax.dot_general(m_ref[...], u, (((1,), (0,)), ((), ())),
                                preferred_element_type=jnp.float32)
        o_ref[...] = v.reshape(1, 28, _B, 512)

    return pl.pallas_call(
        body,
        grid=(28,),
        in_specs=[
            pl.BlockSpec(memory_space=pl.ANY),
            pl.BlockSpec((1, 14, 8, 512), lambda i: ((i * 13) // 27, 0, 0, 0)),
            pl.BlockSpec((1, 14, 8, 512),
                         lambda i: (jnp.minimum((i * 13) // 27 + 1, 13), 0, 0, 0)),
            pl.BlockSpec((28, 14), lambda i: (0, 0)),
        ],
        out_specs=pl.BlockSpec((1, 28, _B, 512), lambda i: (i, 0, 0, 1)),
        out_shape=jax.ShapeDtypeStruct((28, 28, _B, 1024), jnp.float32),
        input_output_aliases={0: 0},
    )(o2n_partial, g3, g3, m3)


def _sc_skip_fill2(v2, map2):
    mesh = plsc.VectorSubcoreMesh(core_axis_name="c", subcore_axis_name="s")
    out_type = jax.ShapeDtypeStruct((784 * 8192,), jnp.float32)
    scratch_types = [
        pltpu.VMEM((4096,), jnp.int32),
        pltpu.VMEM((4096,), jnp.float32),
        pltpu.VMEM((4096,), jnp.float32),
    ]

    @functools.partial(pl.kernel, out_type=out_type, mesh=mesh,
                       scratch_types=scratch_types,
                       compiler_params=pltpu.CompilerParams(
                           needs_layout_passes=False))
    def k(v2h, m2h, o2h, m2v, buf2, obuf2):
        wid = lax.axis_index("s") * 2 + lax.axis_index("c")
        pltpu.sync_copy(m2h, m2v)

        start = wid * 24 + jnp.minimum(wid, 16)
        cnt = 24 + (wid < 16).astype(jnp.int32)

        def pos_body(p, carry):
            pltpu.sync_copy(v2h.at[pl.ds(p * 4096, 4096)], buf2)

            def c2(j, carry2):
                for u in range(32):
                    sl = pl.ds(j * 512 + u * 16, 16)
                    obuf2[sl] = plsc.load_gather(buf2, [m2v[sl]])
                return carry2

            lax.fori_loop(0, _B, c2, 0, unroll=False)
            pltpu.sync_copy(obuf2, o2h.at[pl.ds(p * 8192, 4096)])
            return carry

        lax.fori_loop(start, start + cnt, pos_body, 0)

    return k(v2, map2)


def kernel(feat_layer1, feat_layer2, feat_layer3,
           idx_block1_layer1, idx_block1_layer2,
           idx_block2_layer2, idx_block2_layer3):
    p1 = feat_layer1.transpose(0, 2, 3, 1)
    p2 = feat_layer2.transpose(2, 3, 0, 1)
    p3 = feat_layer3.transpose(2, 3, 0, 1)

    v2 = (feat_layer2.reshape(8, 4, 128, 28, 28)
          .transpose(3, 4, 1, 0, 2).reshape(28 * 28 * 4096))

    k2 = jnp.arange(_B * 512, dtype=jnp.int32)
    s2 = idx_block2_layer2[(k2 >> 10) * 128 + (k2 & 127)]
    map2 = (s2 >> 7) * 1024 + (k2 & 0x380) + (s2 & 127)

    o2v = _sc_skip_fill2(v2, map2)
    o1p = _gather1(p1, idx_block1_layer1)
    g2 = _gather2_only(p2, idx_block1_layer2)
    g3 = _gather3(p3, idx_block2_layer3)

    o2p = (o2v.reshape(28, 28, 8, 8, 128).transpose(0, 1, 3, 2, 4)
           .reshape(28, 28, 8, 1024))

    o1n = _upsample1(g2, o1p)
    o2n = _upsample2(g3, o2p)

    block1 = o1n.transpose(0, 3, 1, 2)
    block2 = o2n.transpose(2, 3, 0, 1)
    return (block1, block2)

# --- scband reference (transcript-rebuilt; emitter-appended) ---
"""Pipeline reference for scband-real-net-80032420594259 (READ-ONLY COPY).

The authoritative reference and input builder live on the scoring server;
editing this copy changes nothing except your own understanding.
"""

import jax, jax.numpy as jnp
import numpy as np


def _upsample_bilinear_ac(x, scale):
    # PyTorch UpsamplingBilinear2d uses align_corners=True semantics.
    if scale == 1:
        return x
    B, C, H, W = x.shape
    outH, outW = H * scale, W * scale
    ys = jnp.linspace(0.0, H - 1, outH)
    xs = jnp.linspace(0.0, W - 1, outW)
    y0 = jnp.floor(ys).astype(jnp.int32)
    y1 = jnp.minimum(y0 + 1, H - 1)
    wy = (ys - y0).astype(x.dtype)
    x0 = jnp.floor(xs).astype(jnp.int32)
    x1 = jnp.minimum(x0 + 1, W - 1)
    wx = (xs - x0).astype(x.dtype)
    top = jnp.take(x, y0, axis=2)
    bot = jnp.take(x, y1, axis=2)
    rows = top * (1.0 - wy)[None, None, :, None] + bot * wy[None, None, :, None]
    left = jnp.take(rows, x0, axis=3)
    right = jnp.take(rows, x1, axis=3)
    return left * (1.0 - wx)[None, None, None, :] + right * wx[None, None, None, :]


def setup_inputs(seed: int = 0):
    key = jax.random.key(seed)
    k = [jax.random.fold_in(key, i) for i in range(8)]
    return {
        "feat_layer1": jax.random.normal(k[0], (8, 256, 56, 56), dtype=jnp.float32),
        "feat_layer2": jax.random.normal(k[1], (8, 512, 28, 28), dtype=jnp.float32),
        "feat_layer3": jax.random.normal(k[2], (8, 1024, 14, 14), dtype=jnp.float32),
        "idx_block1_layer1": jax.random.randint(k[3], (256,), 0, 256, dtype=jnp.int32),
        "idx_block1_layer2": jax.random.randint(k[4], (512,), 0, 512, dtype=jnp.int32),
        "idx_block2_layer2": jax.random.randint(k[5], (512,), 0, 512, dtype=jnp.int32),
        "idx_block2_layer3": jax.random.randint(k[6], (512,), 0, 1024, dtype=jnp.int32),
    }


def reference(feat_layer1, feat_layer2, feat_layer3,
              idx_block1_layer1, idx_block1_layer2,
              idx_block2_layer2, idx_block2_layer3):
    # AFS.forward (train=False): per block, per layer: channel index_select,
    # bilinear upsample (scale = instride / block_stride), concat along channels.
    # block1: stride 4 -> layer1 scale 1 (4/4), layer2 scale 2 (8/4)
    b1_l1 = _upsample_bilinear_ac(jnp.take(feat_layer1, idx_block1_layer1, axis=1), 1)
    b1_l2 = _upsample_bilinear_ac(jnp.take(feat_layer2, idx_block1_layer2, axis=1), 2)
    block1 = jnp.concatenate([b1_l1, b1_l2], axis=1)  # [8, 768, 56, 56]
    # block2: stride 8 -> layer2 scale 1 (8/8), layer3 scale 2 (16/8)
    b2_l2 = _upsample_bilinear_ac(jnp.take(feat_layer2, idx_block2_layer2, axis=1), 1)
    b2_l3 = _upsample_bilinear_ac(jnp.take(feat_layer3, idx_block2_layer3, axis=1), 2)
    block2 = jnp.concatenate([b2_l2, b2_l3], axis=1)  # [8, 1024, 28, 28]
    return (block1, block2)

if __name__ == "__main__":
    import jax
    _d = setup_inputs()
    print(jax.jit(kernel)(*tuple(_d.values())))

</pallas_src>

<mosaic_0001>
#map = affine_map<(d0, d1) -> (0)>
module attributes {stable_mosaic.version = 14 : i64} {
  func.func @k(%arg0: i32, %arg1: i32, %arg2: memref<3211264xf32, #tpu.memory_space<hbm>>, %arg3: memref<4096xi32, #tpu.memory_space<hbm>>, %arg4: memref<6422528xf32, #tpu.memory_space<hbm>>, %arg5: memref<4096xi32, #tpu.memory_space<vmem>>, %arg6: memref<4096xf32, #tpu.memory_space<vmem>>, %arg7: memref<4096xf32, #tpu.memory_space<vmem>>) attributes {dimension_semantics = [#tpu.dimension_semantics<core_parallel>, #tpu.dimension_semantics<subcore_parallel>], iteration_bounds = array<i64: 2, 16>, scalar_prefetch = 0 : i64, scratch_operands = 3 : i64, tpu.core_type = #tpu.core_type<sc_vector_subcore>, window_params = [{transform_indices = #map}, {transform_indices = #map}, {transform_indices = #map}]} {
    %mul3A = arith.constant 2 : i32
    %mul3A_0 = arith.muli %arg1, %mul3A : i32
    %add3A = arith.addi %mul3A_0, %arg0 : i32
    "tpu.region"() ({
      %run_scoped3A = tpu.sem_alloc : memref<!tpu.dma_semaphore, #tpu.memory_space<semaphore_mem>>
      tpu.enqueue_dma source(%arg3 : memref<4096xi32, #tpu.memory_space<hbm>>) target(%arg5 : memref<4096xi32, #tpu.memory_space<vmem>>) target_semaphore(%run_scoped3A : memref<!tpu.dma_semaphore, #tpu.memory_space<semaphore_mem>>)
      tpu.wait_dma2 semaphore(%run_scoped3A : memref<!tpu.dma_semaphore, #tpu.memory_space<semaphore_mem>>) src(%arg3 : memref<4096xi32, #tpu.memory_space<hbm>>) dst(%arg5 : memref<4096xi32, #tpu.memory_space<vmem>>)
      tpu.yield
    }) : () -> ()
    %mul3A_1 = arith.constant 24 : i32
    %mul3A_2 = arith.muli %add3A, %mul3A_1 : i32
    %min3A = arith.constant 16 : i32
    %min3A_3 = arith.minsi %add3A, %min3A : i32
    %add3A_4 = arith.addi %mul3A_2, %min3A_3 : i32
    %lt3A = arith.constant 16 : i32
    %lt3A_5 = arith.cmpi slt, %add3A, %lt3A : i32
    %convert_element_type3A = arith.extui %lt3A_5 : i1 to i32
    %add3A_6 = arith.constant 24 : i32
    %add3A_7 = arith.addi %add3A_6, %convert_element_type3A : i32
    %add3A_8 = arith.addi %add3A_4, %add3A_7 : i32
    %while3A = arith.constant 0 : i32
    %while3A_9 = arith.subi %add3A_8, %add3A_4 : i32
    %while3A_10 = arith.addi %add3A_4, %while3A_9 : i32
    %while3A_11 = arith.constant 1 : i32
    %while3A_12 = arith.divsi %while3A_9, %while3A_11 : i32
    %while3A_13 = arith.muli %while3A_12, %while3A_11 : i32
    %while3A_14 = arith.addi %add3A_4, %while3A_13 : i32
    %while3A_15 = arith.constant 1 : i32
    scf.for %while3A_17 = %add3A_4 to %while3A_14 step %while3A_15  : i32 {
      %mul3A_18 = arith.constant 4096 : i32
      %mul3A_19 = arith.muli %while3A_17, %mul3A_18 : i32
      "tpu.region"() ({
        %run_scoped3A = tpu.sem_alloc : memref<!tpu.dma_semaphore, #tpu.memory_space<semaphore_mem>>
        %dma_start3A = tpu.memref_slice %arg2[%mul3A_19] : memref<3211264xf32, #tpu.memory_space<hbm>> -> memref<4096xf32, #tpu.memory_space<hbm>>
        %dma_start3A_27 = tpu.memref_slice %arg2[%mul3A_19] : memref<3211264xf32, #tpu.memory_space<hbm>> -> memref<4096xf32, #tpu.memory_space<hbm>>
        tpu.enqueue_dma source(%dma_start3A_27 : memref<4096xf32, #tpu.memory_space<hbm>>) target(%arg6 : memref<4096xf32, #tpu.memory_space<vmem>>) target_semaphore(%run_scoped3A : memref<!tpu.dma_semaphore, #tpu.memory_space<semaphore_mem>>)
        %dma_wait3A = tpu.memref_slice %arg2[%mul3A_19] : memref<3211264xf32, #tpu.memory_space<hbm>> -> memref<4096xf32, #tpu.memory_space<hbm>>
        %dma_wait3A_28 = tpu.memref_slice %arg2[%mul3A_19] : memref<3211264xf32, #tpu.memory_space<hbm>> -> memref<4096xf32, #tpu.memory_space<hbm>>
        tpu.wait_dma2 semaphore(%run_scoped3A : memref<!tpu.dma_semaphore, #tpu.memory_space<semaphore_mem>>) src(%dma_wait3A_28 : memref<4096xf32, #tpu.memory_space<hbm>>) dst(%arg6 : memref<4096xf32, #tpu.memory_space<vmem>>)
        tpu.yield
      }) : () -> ()
      %scan3A = arith.constant 0 : i32
      %scan3A_20 = arith.constant 0 : i32
      %scan3A_21 = arith.constant 8 : i32
      %scan3A_22 = arith.addi %scan3A_20, %scan3A_21 : i32
      %scan3A_23 = arith.constant 1 : i32
      scf.for %scan3A_27 = %scan3A_20 to %scan3A_22 step %scan3A_23  : i32 {
        %mul3A_28 = arith.constant 512 : i32
        %mul3A_29 = arith.muli %scan3A_27, %mul3A_28 : i32
        %add3A_30 = arith.constant 0 : i32
        %add3A_31 = arith.addi %mul3A_29, %add3A_30 : i32
        %get3A = arith.index_cast %add3A_31 : i32 to index
        %get3A_32 = tpu.vector_load %arg5[%get3A] {strides = array<i32>} : memref<4096xi32, #tpu.memory_space<vmem>>, vector<16xi32>,
        %gather3A = tpu.vector_load_idx %arg6[%get3A_32] : memref<4096xf32, #tpu.memory_space<vmem>>[vector<16xi32>], vector<16xf32>,
        %swap3A = arith.index_cast %add3A_31 : i32 to index
        %swap3A_33 = tpu.vector_load %arg7[%swap3A] {strides = array<i32>} : memref<4096xf32, #tpu.memory_space<vmem>>, vector<16xf32>,
        tpu.vector_store %arg7[%swap3A], %gather3A {strides = array<i32>} : memref<4096xf32, #tpu.memory_space<vmem>>, vector<16xf32>,
        %mul3A_34 = arith.constant 512 : i32
        %mul3A_35 = arith.muli %scan3A_27, %mul3A_34 : i32
        %add3A_36 = arith.constant 16 : i32
        %add3A_37 = arith.addi %mul3A_35, %add3A_36 : i32
        %get3A_38 = arith.index_cast %add3A_37 : i32 to index
        %get3A_39 = tpu.vector_load %arg5[%get3A_38] {strides = array<i32>} : memref<4096xi32, #tpu.memory_space<vmem>>, vector<16xi32>,
        %gather3A_40 = tpu.vector_load_idx %arg6[%get3A_39] : memref<4096xf32, #tpu.memory_space<vmem>>[vector<16xi32>], vector<16xf32>,
        %swap3A_41 = arith.index_cast %add3A_37 : i32 to index
        %swap3A_42 = tpu.vector_load %arg7[%swap3A_41] {strides = array<i32>} : memref<4096xf32, #tpu.memory_space<vmem>>, vector<16xf32>,
        tpu.vector_store %arg7[%swap3A_41], %gather3A_40 {strides = array<i32>} : memref<4096xf32, #tpu.memory_space<vmem>>, vector<16xf32>,
        %mul3A_43 = arith.constant 512 : i32
        %mul3A_44 = arith.muli %scan3A_27, %mul3A_43 : i32
        %add3A_45 = arith.constant 32 : i32
        %add3A_46 = arith.addi %mul3A_44, %add3A_45 : i32
        %get3A_47 = arith.index_cast %add3A_46 : i32 to index
        %get3A_48 = tpu.vector_load %arg5[%get3A_47] {strides = array<i32>} : memref<4096xi32, #tpu.memory_space<vmem>>, vector<16xi32>,
        %gather3A_49 = tpu.vector_load_idx %arg6[%get3A_48] : memref<4096xf32, #tpu.memory_space<vmem>>[vector<16xi32>], vector<16xf32>,
        %swap3A_50 = arith.index_cast %add3A_46 : i32 to index
        %swap3A_51 = tpu.vector_load %arg7[%swap3A_50] {strides = array<i32>} : memref<4096xf32, #tpu.memory_space<vmem>>, vector<16xf32>,
        tpu.vector_store %arg7[%swap3A_50], %gather3A_49 {strides = array<i32>} : memref<4096xf32, #tpu.memory_space<vmem>>, vector<16xf32>,
        %mul3A_52 = arith.constant 512 : i32
        %mul3A_53 = arith.muli %scan3A_27, %mul3A_52 : i32
        %add3A_54 = arith.constant 48 : i32
        %add3A_55 = arith.addi %mul3A_53, %add3A_54 : i32
        %get3A_56 = arith.index_cast %add3A_55 : i32 to index
        %get3A_57 = tpu.vector_load %arg5[%get3A_56] {strides = array<i32>} : memref<4096xi32, #tpu.memory_space<vmem>>, vector<16xi32>,
        %gather3A_58 = tpu.vector_load_idx %arg6[%get3A_57] : memref<4096xf32, #tpu.memory_space<vmem>>[vector<16xi32>], vector<16xf32>,
        %swap3A_59 = arith.index_cast %add3A_55 : i32 to index
        %swap3A_60 = tpu.vector_load %arg7[%swap3A_59] {strides = array<i32>} : memref<4096xf32, #tpu.memory_space<vmem>>, vector<16xf32>,
        tpu.vector_store %arg7[%swap3A_59], %gather3A_58 {strides = array<i32>} : memref<4096xf32, #tpu.memory_space<vmem>>, vector<16xf32>,
        %mul3A_61 = arith.constant 512 : i32
        %mul3A_62 = arith.muli %scan3A_27, %mul3A_61 : i32
        %add3A_63 = arith.constant 64 : i32
        %add3A_64 = arith.addi %mul3A_62, %add3A_63 : i32
        %get3A_65 = arith.index_cast %add3A_64 : i32 to index
        %get3A_66 = tpu.vector_load %arg5[%get3A_65] {strides = array<i32>} : memref<4096xi32, #tpu.memory_space<vmem>>, vector<16xi32>,
        %gather3A_67 = tpu.vector_load_idx %arg6[%get3A_66] : memref<4096xf32, #tpu.memory_space<vmem>>[vector<16xi32>], vector<16xf32>,
        %swap3A_68 = arith.index_cast %add3A_64 : i32 to index
        %swap3A_69 = tpu.vector_load %arg7[%swap3A_68] {strides = array<i32>} : memref<4096xf32, #tpu.memory_space<vmem>>, vector<16xf32>,
        tpu.vector_store %arg7[%swap3A_68], %gather3A_67 {strides = array<i32>} : memref<4096xf32, #tpu.memory_space<vmem>>, vector<16xf32>,
        %mul3A_70 = arith.constant 512 : i32
        %mul3A_71 = arith.muli %scan3A_27, %mul3A_70 : i32
        %add3A_72 = arith.constant 80 : i32
        %add3A_73 = arith.addi %mul3A_71, %add3A_72 : i32
        %get3A_74 = arith.index_cast %add3A_73 : i32 to index
        %get3A_75 = tpu.vector_load %arg5[%get3A_74] {strides = array<i32>} : memref<4096xi32, #tpu.memory_space<vmem>>, vector<16xi32>,
        %gather3A_76 = tpu.vector_load_idx %arg6[%get3A_75] : memref<4096xf32, #tpu.memory_space<vmem>>[vector<16xi32>], vector<16xf32>,
        %swap3A_77 = arith.index_cast %add3A_73 : i32 to index
        %swap3A_78 = tpu.vector_load %arg7[%swap3A_77] {strides = array<i32>} : memref<4096xf32, #tpu.memory_space<vmem>>, vector<16xf32>,
        tpu.vector_store %arg7[%swap3A_77], %gather3A_76 {strides = array<i32>} : memref<4096xf32, #tpu.memory_space<vmem>>, vector<16xf32>,
        %mul3A_79 = arith.constant 512 : i32
        %mul3A_80 = arith.muli %scan3A_27, %mul3A_79 : i32
        %add3A_81 = arith.constant 96 : i32
        %add3A_82 = arith.addi %mul3A_80, %add3A_81 : i32
        %get3A_83 = arith.index_cast %add3A_82 : i32 to index
        %get3A_84 = tpu.vector_load %arg5[%get3A_83] {strides = array<i32>} : memref<4096xi32, #tpu.memory_space<vmem>>, vector<16xi32>,
        %gather3A_85 = tpu.vector_load_idx %arg6[%get3A_84] : memref<4096xf32, #tpu.memory_space<vmem>>[vector<16xi32>], vector<16xf32>,
        %swap3A_86 = arith.index_cast %add3A_82 : i32 to index
        %swap3A_87 = tpu.vector_load %arg7[%swap3A_86] {strides = array<i32>} : memref<4096xf32, #tpu.memory_space<vmem>>, vector<16xf32>,
        tpu.vector_store %arg7[%swap3A_86], %gather3A_85 {strides = array<i32>} : memref<4096xf32, #tpu.memory_space<vmem>>, vector<16xf32>,
        %mul3A_88 = arith.constant 512 : i32
        %mul3A_89 = arith.muli %scan3A_27, %mul3A_88 : i32
        %add3A_90 = arith.constant 112 : i32
        %add3A_91 = arith.addi %mul3A_89, %add3A_90 : i32
        %get3A_92 = arith.index_cast %add3A_91 : i32 to index
        %get3A_93 = tpu.vector_load %arg5[%get3A_92] {strides = array<i32>} : memref<4096xi32, #tpu.memory_space<vmem>>, vector<16xi32>,
        %gather3A_94 = tpu.vector_load_idx %arg6[%get3A_93] : memref<4096xf32, #tpu.memory_space<vmem>>[vector<16xi32>], vector<16xf32>,
        %swap3A_95 = arith.index_cast %add3A_91 : i32 to index
        %swap3A_96 = tpu.vector_load %arg7[%swap3A_95] {strides = array<i32>} : memref<4096xf32, #tpu.memory_space<vmem>>, vector<16xf32>,
        tpu.vector_store %arg7[%swap3A_95], %gather3A_94 {strides = array<i32>} : memref<4096xf32, #tpu.memory_space<vmem>>, vector<16xf32>,
        %mul3A_97 = arith.constant 512 : i32
        %mul3A_98 = arith.muli %scan3A_27, %mul3A_97 : i32
        %add3A_99 = arith.constant 128 : i32
        %add3A_100 = arith.addi %mul3A_98, %add3A_99 : i32
        %get3A_101 = arith.index_cast %add3A_100 : i32 to index
        %get3A_102 = tpu.vector_load %arg5[%get3A_101] {strides = array<i32>} : memref<4096xi32, #tpu.memory_space<vmem>>, vector<16xi32>,
        %gather3A_103 = tpu.vector_load_idx %arg6[%get3A_102] : memref<4096xf32, #tpu.memory_space<vmem>>[vector<16xi32>], vector<16xf32>,
        %swap3A_104 = arith.index_cast %add3A_100 : i32 to index
        %swap3A_105 = tpu.vector_load %arg7[%swap3A_104] {strides = array<i32>} : memref<4096xf32, #tpu.memory_space<vmem>>, vector<16xf32>,
        tpu.vector_store %arg7[%swap3A_104], %gather3A_103 {strides = array<i32>} : memref<4096xf32, #tpu.memory_space<vmem>>, vector<16xf32>,
        %mul3A_106 = arith.constant 512 : i32
        %mul3A_107 = arith.muli %scan3A_27, %mul3A_106 : i32
        %add3A_108 = arith.constant 144 : i32
        %add3A_109 = arith.addi %mul3A_107, %add3A_108 : i32
        %get3A_110 = arith.index_cast %add3A_109 : i32 to index
        %get3A_111 = tpu.vector_load %arg5[%get3A_110] {strides = array<i32>} : memref<4096xi32, #tpu.memory_space<vmem>>, vector<16xi32>,
        %gather3A_112 = tpu.vector_load_idx %arg6[%get3A_111] : memref<4096xf32, #tpu.memory_space<vmem>>[vector<16xi32>], vector<16xf32>,
        %swap3A_113 = arith.index_cast %add3A_109 : i32 to index
        %swap3A_114 = tpu.vector_load %arg7[%swap3A_113] {strides = array<i32>} : memref<4096xf32, #tpu.memory_space<vmem>>, vector<16xf32>,
        tpu.vector_store %arg7[%swap3A_113], %gather3A_112 {strides = array<i32>} : memref<4096xf32, #tpu.memory_space<vmem>>, vector<16xf32>,
        %mul3A_115 = arith.constant 512 : i32
        %mul3A_116 = arith.muli %scan3A_27, %mul3A_115 : i32
        %add3A_117 = arith.constant 160 : i32
        %add3A_118 = arith.addi %mul3A_116, %add3A_117 : i32
        %get3A_119 = arith.index_cast %add3A_118 : i32 to index
        %get3A_120 = tpu.vector_load %arg5[%get3A_119] {strides = array<i32>} : memref<4096xi32, #tpu.memory_space<vmem>>, vector<16xi32>,
        %gather3A_121 = tpu.vector_load_idx %arg6[%get3A_120] : memref<4096xf32, #tpu.memory_space<vmem>>[vector<16xi32>], vector<16xf32>,
        %swap3A_122 = arith.index_cast %add3A_118 : i32 to index
        %swap3A_123 = tpu.vector_load %arg7[%swap3A_122] {strides = array<i32>} : memref<4096xf32, #tpu.memory_space<vmem>>, vector<16xf32>,
        tpu.vector_store %arg7[%swap3A_122], %gather3A_121 {strides = array<i32>} : memref<4096xf32, #tpu.memory_space<vmem>>, vector<16xf32>,
        %mul3A_124 = arith.constant 512 : i32
        %mul3A_125 = arith.muli %scan3A_27, %mul3A_124 : i32
        %add3A_126 = arith.constant 176 : i32
        %add3A_127 = arith.addi %mul3A_125, %add3A_126 : i32
        %get3A_128 = arith.index_cast %add3A_127 : i32 to index
        %get3A_129 = tpu.vector_load %arg5[%get3A_128] {strides = array<i32>} : memref<4096xi32, #tpu.memory_space<vmem>>, vector<16xi32>,
        %gather3A_130 = tpu.vector_load_idx %arg6[%get3A_129] : memref<4096xf32, #tpu.memory_space<vmem>>[vector<16xi32>], vector<16xf32>,
        %swap3A_131 = arith.index_cast %add3A_127 : i32 to index
        %swap3A_132 = tpu.vector_load %arg7[%swap3A_131] {strides = array<i32>} : memref<4096xf32, #tpu.memory_space<vmem>>, vector<16xf32>,
        tpu.vector_store %arg7[%swap3A_131], %gather3A_130 {strides = array<i32>} : memref<4096xf32, #tpu.memory_space<vmem>>, vector<16xf32>,
        %mul3A_133 = arith.constant 512 : i32
        %mul3A_134 = arith.muli %scan3A_27, %mul3A_133 : i32
        %add3A_135 = arith.constant 192 : i32
        %add3A_136 = arith.addi %mul3A_134, %add3A_135 : i32
        %get3A_137 = arith.index_cast %add3A_136 : i32 to index
        %get3A_138 = tpu.vector_load %arg5[%get3A_137] {strides = array<i32>} : memref<4096xi32, #tpu.memory_space<vmem>>, vector<16xi32>,
        %gather3A_139 = tpu.vector_load_idx %arg6[%get3A_138] : memref<4096xf32, #tpu.memory_space<vmem>>[vector<16xi32>], vector<16xf32>,
        %swap3A_140 = arith.index_cast %add3A_136 : i32 to index
        %swap3A_141 = tpu.vector_load %arg7[%swap3A_140] {strides = array<i32>} : memref<4096xf32, #tpu.memory_space<vmem>>, vector<16xf32>,
        tpu.vector_store %arg7[%swap3A_140], %gather3A_139 {strides = array<i32>} : memref<4096xf32, #tpu.memory_space<vmem>>, vector<16xf32>,
        %mul3A_142 = arith.constant 512 : i32
        %mul3A_143 = arith.muli %scan3A_27, %mul3A_142 : i32
        %add3A_144 = arith.constant 208 : i32
        %add3A_145 = arith.addi %mul3A_143, %add3A_144 : i32
        %get3A_146 = arith.index_cast %add3A_145 : i32 to index
        %get3A_147 = tpu.vector_load %arg5[%get3A_146] {strides = array<i32>} : memref<4096xi32, #tpu.memory_space<vmem>>, vector<16xi32>,
        %gather3A_148 = tpu.vector_load_idx %arg6[%get3A_147] : memref<4096xf32, #tpu.memory_space<vmem>>[vector<16xi32>], vector<16xf32>,
        %swap3A_149 = arith.index_cast %add3A_145 : i32 to index
        %swap3A_150 = tpu.vector_load %arg7[%swap3A_149] {strides = array<i32>} : memref<4096xf32, #tpu.memory_space<vmem>>, vector<16xf32>,
        tpu.vector_store %arg7[%swap3A_149], %gather3A_148 {strides = array<i32>} : memref<4096xf32, #tpu.memory_space<vmem>>, vector<16xf32>,
        %mul3A_151 = arith.constant 512 : i32
        %mul3A_152 = arith.muli %scan3A_27, %mul3A_151 : i32
        %add3A_153 = arith.constant 224 : i32
        %add3A_154 = arith.addi %mul3A_152, %add3A_153 : i32
        %get3A_155 = arith.index_cast %add3A_154 : i32 to index
        %get3A_156 = tpu.vector_load %arg5[%get3A_155] {strides = array<i32>} : memref<4096xi32, #tpu.memory_space<vmem>>, vector<16xi32>,
        %gather3A_157 = tpu.vector_load_idx %arg6[%get3A_156] : memref<4096xf32, #tpu.memory_space<vmem>>[vector<16xi32>], vector<16xf32>,
        %swap3A_158 = arith.index_cast %add3A_154 : i32 to index
        %swap3A_159 = tpu.vector_load %arg7[%swap3A_158] {strides = array<i32>} : memref<4096xf32, #tpu.memory_space<vmem>>, vector<16xf32>,
        tpu.vector_store %arg7[%swap3A_158], %gather3A_157 {strides = array<i32>} : memref<4096xf32, #tpu.memory_space<vmem>>, vector<16xf32>,
        %mul3A_160 = arith.constant 512 : i32
        %mul3A_161 = arith.muli %scan3A_27, %mul3A_160 : i32
        %add3A_162 = arith.constant 240 : i32
        %add3A_163 = arith.addi %mul3A_161, %add3A_162 : i32
        %get3A_164 = arith.index_cast %add3A_163 : i32 to index
        %get3A_165 = tpu.vector_load %arg5[%get3A_164] {strides = array<i32>} : memref<4096xi32, #tpu.memory_space<vmem>>, vector<16xi32>,
        %gather3A_166 = tpu.vector_load_idx %arg6[%get3A_165] : memref<4096xf32, #tpu.memory_space<vmem>>[vector<16xi32>], vector<16xf32>,
        %swap3A_167 = arith.index_cast %add3A_163 : i32 to index
        %swap3A_168 = tpu.vector_load %arg7[%swap3A_167] {strides = array<i32>} : memref<4096xf32, #tpu.memory_space<vmem>>, vector<16xf32>,
        tpu.vector_store %arg7[%swap3A_167], %gather3A_166 {strides = array<i32>} : memref<4096xf32, #tpu.memory_space<vmem>>, vector<16xf32>,
        %mul3A_169 = arith.constant 512 : i32
        %mul3A_170 = arith.muli %scan3A_27, %mul3A_169 : i32
        %add3A_171 = arith.constant 256 : i32
        %add3A_172 = arith.addi %mul3A_170, %add3A_171 : i32
        %get3A_173 = arith.index_cast %add3A_172 : i32 to index
        %get3A_174 = tpu.vector_load %arg5[%get3A_173] {strides = array<i32>} : memref<4096xi32, #tpu.memory_space<vmem>>, vector<16xi32>,
        %gather3A_175 = tpu.vector_load_idx %arg6[%get3A_174] : memref<4096xf32, #tpu.memory_space<vmem>>[vector<16xi32>], vector<16xf32>,
        %swap3A_176 = arith.index_cast %add3A_172 : i32 to index
        %swap3A_177 = tpu.vector_load %arg7[%swap3A_176] {strides = array<i32>} : memref<4096xf32, #tpu.memory_space<vmem>>, vector<16xf32>,
        tpu.vector_store %arg7[%swap3A_176], %gather3A_175 {strides = array<i32>} : memref<4096xf32, #tpu.memory_space<vmem>>, vector<16xf32>,
        %mul3A_178 = arith.constant 512 : i32
        %mul3A_179 = arith.muli %scan3A_27, %mul3A_178 : i32
        %add3A_180 = arith.constant 272 : i32
        %add3A_181 = arith.addi %mul3A_179, %add3A_180 : i32
        %get3A_182 = arith.index_cast %add3A_181 : i32 to index
        %get3A_183 = tpu.vector_load %arg5[%get3A_182] {strides = array<i32>} : memref<4096xi32, #tpu.memory_space<vmem>>, vector<16xi32>,
        %gather3A_184 = tpu.vector_load_idx %arg6[%get3A_183] : memref<4096xf32, #tpu.memory_space<vmem>>[vector<16xi32>], vector<16xf32>,
        %swap3A_185 = arith.index_cast %add3A_181 : i32 to index
        %swap3A_186 = tpu.vector_load %arg7[%swap3A_185] {strides = array<i32>} : memref<4096xf32, #tpu.memory_space<vmem>>, vector<16xf32>,
        tpu.vector_store %arg7[%swap3A_185], %gather3A_184 {strides = array<i32>} : memref<4096xf32, #tpu.memory_space<vmem>>, vector<16xf32>,
        %mul3A_187 = arith.constant 512 : i32
        %mul3A_188 = arith.muli %scan3A_27, %mul3A_187 : i32
        %add3A_189 = arith.constant 288 : i32
        %add3A_190 = arith.addi %mul3A_188, %add3A_189 : i32
        %get3A_191 = arith.index_cast %add3A_190 : i32 to index
        %get3A_192 = tpu.vector_load %arg5[%get3A_191] {strides = array<i32>} : memref<4096xi32, #tpu.memory_space<vmem>>, vector<16xi32>,
        %gather3A_193 = tpu.vector_load_idx %arg6[%get3A_192] : memref<4096xf32, #tpu.memory_space<vmem>>[vector<16xi32>], vector<16xf32>,
        %swap3A_194 = arith.index_cast %add3A_190 : i32 to index
        %swap3A_195 = tpu.vector_load %arg7[%swap3A_194] {strides = array<i32>} : memref<4096xf32, #tpu.memory_space<vmem>>, vector<16xf32>,
        tpu.vector_store %arg7[%swap3A_194], %gather3A_193 {strides = array<i32>} : memref<4096xf32, #tpu.memory_space<vmem>>, vector<16xf32>,
        %mul3A_196 = arith.constant 512 : i32
        %mul3A_197 = arith.muli %scan3A_27, %mul3A_196 : i32
        %add3A_198 = arith.constant 304 : i32
        %add3A_199 = arith.addi %mul3A_197, %add3A_198 : i32
        %get3A_200 = arith.index_cast %add3A_199 : i32 to index
        %get3A_201 = tpu.vector_load %arg5[%get3A_200] {strides = array<i32>} : memref<4096xi32, #tpu.memory_space<vmem>>, vector<16xi32>,
        %gather3A_202 = tpu.vector_load_idx %arg6[%get3A_201] : memref<4096xf32, #tpu.memory_space<vmem>>[vector<16xi32>], vector<16xf32>,
        %swap3A_203 = arith.index_cast %add3A_199 : i32 to index
        %swap3A_204 = tpu.vector_load %arg7[%swap3A_203] {strides = array<i32>} : memref<4096xf32, #tpu.memory_space<vmem>>, vector<16xf32>,
        tpu.vector_store %arg7[%swap3A_203], %gather3A_202 {strides = array<i32>} : memref<4096xf32, #tpu.memory_space<vmem>>, vector<16xf32>,
        %mul3A_205 = arith.constant 512 : i32
        %mul3A_206 = arith.muli %scan3A_27, %mul3A_205 : i32
        %add3A_207 = arith.constant 320 : i32
        %add3A_208 = arith.addi %mul3A_206, %add3A_207 : i32
        %get3A_209 = arith.index_cast %add3A_208 : i32 to index
        %get3A_210 = tpu.vector_load %arg5[%get3A_209] {strides = array<i32>} : memref<4096xi32, #tpu.memory_space<vmem>>, vector<16xi32>,
        %gather3A_211 = tpu.vector_load_idx %arg6[%get3A_210] : memref<4096xf32, #tpu.memory_space<vmem>>[vector<16xi32>], vector<16xf32>,
        %swap3A_212 = arith.index_cast %add3A_208 : i32 to index
        %swap3A_213 = tpu.vector_load %arg7[%swap3A_212] {strides = array<i32>} : memref<4096xf32, #tpu.memory_space<vmem>>, vector<16xf32>,
        tpu.vector_store %arg7[%swap3A_212], %gather3A_211 {strides = array<i32>} : memref<4096xf32, #tpu.memory_space<vmem>>, vector<16xf32>,
        %mul3A_214 = arith.constant 512 : i32
        %mul3A_215 = arith.muli %scan3A_27, %mul3A_214 : i32
        %add3A_216 = arith.constant 336 : i32
        %add3A_217 = arith.addi %mul3A_215, %add3A_216 : i32
        %get3A_218 = arith.index_cast %add3A_217 : i32 to index
        %get3A_219 = tpu.vector_load %arg5[%get3A_218] {strides = array<i32>} : memref<4096xi32, #tpu.memory_space<vmem>>, vector<16xi32>,
        %gather3A_220 = tpu.vector_load_idx %arg6[%get3A_219] : memref<4096xf32, #tpu.memory_space<vmem>>[vector<16xi32>], vector<16xf32>,
        %swap3A_221 = arith.index_cast %add3A_217 : i32 to index
        %swap3A_222 = tpu.vector_load %arg7[%swap3A_221] {strides = array<i32>} : memref<4096xf32, #tpu.memory_space<vmem>>, vector<16xf32>,
        tpu.vector_store %arg7[%swap3A_221], %gather3A_220 {strides = array<i32>} : memref<4096xf32, #tpu.memory_space<vmem>>, vector<16xf32>,
        %mul3A_223 = arith.constant 512 : i32
        %mul3A_224 = arith.muli %scan3A_27, %mul3A_223 : i32
        %add3A_225 = arith.constant 352 : i32
        %add3A_226 = arith.addi %mul3A_224, %add3A_225 : i32
        %get3A_227 = arith.index_cast %add3A_226 : i32 to index
        %get3A_228 = tpu.vector_load %arg5[%get3A_227] {strides = array<i32>} : memref<4096xi32, #tpu.memory_space<vmem>>, vector<16xi32>,
        %gather3A_229 = tpu.vector_load_idx %arg6[%get3A_228] : memref<4096xf32, #tpu.memory_space<vmem>>[vector<16xi32>], vector<16xf32>,
        %swap3A_230 = arith.index_cast %add3A_226 : i32 to index
        %swap3A_231 = tpu.vector_load %arg7[%swap3A_230] {strides = array<i32>} : memref<4096xf32, #tpu.memory_space<vmem>>, vector<16xf32>,
        tpu.vector_store %arg7[%swap3A_230], %gather3A_229 {strides = array<i32>} : memref<4096xf32, #tpu.memory_space<vmem>>, vector<16xf32>,
        %mul3A_232 = arith.constant 512 : i32
        %mul3A_233 = arith.muli %scan3A_27, %mul3A_232 : i32
        %add3A_234 = arith.constant 368 : i32
        %add3A_235 = arith.addi %mul3A_233, %add3A_234 : i32
        %get3A_236 = arith.index_cast %add3A_235 : i32 to index
        %get3A_237 = tpu.vector_load %arg5[%get3A_236] {strides = array<i32>} : memref<4096xi32, #tpu.memory_space<vmem>>, vector<16xi32>,
        %gather3A_238 = tpu.vector_load_idx %arg6[%get3A_237] : memref<4096xf32, #tpu.memory_space<vmem>>[vector<16xi32>], vector<16xf32>,
        %swap3A_239 = arith.index_cast %add3A_235 : i32 to index
        %swap3A_240 = tpu.vector_load %arg7[%swap3A_239] {strides = array<i32>} : memref<4096xf32, #tpu.memory_space<vmem>>, vector<16xf32>,
        tpu.vector_store %arg7[%swap3A_239], %gather3A_238 {strides = array<i32>} : memref<4096xf32, #tpu.memory_space<vmem>>, vector<16xf32>,
        %mul3A_241 = arith.constant 512 : i32
        %mul3A_242 = arith.muli %scan3A_27, %mul3A_241 : i32
        %add3A_243 = arith.constant 384 : i32
        %add3A_244 = arith.addi %mul3A_242, %add3A_243 : i32
        %get3A_245 = arith.index_cast %add3A_244 : i32 to index
        %get3A_246 = tpu.vector_load %arg5[%get3A_245] {strides = array<i32>} : memref<4096xi32, #tpu.memory_space<vmem>>, vector<16xi32>,
        %gather3A_247 = tpu.vector_load_idx %arg6[%get3A_246] : memref<4096xf32, #tpu.memory_space<vmem>>[vector<16xi32>], vector<16xf32>,
        %swap3A_248 = arith.index_cast %add3A_244 : i32 to index
        %swap3A_249 = tpu.vector_load %arg7[%swap3A_248] {strides = array<i32>} : memref<4096xf32, #tpu.memory_space<vmem>>, vector<16xf32>,
        tpu.vector_store %arg7[%swap3A_248], %gather3A_247 {strides = array<i32>} : memref<4096xf32, #tpu.memory_space<vmem>>, vector<16xf32>,
        %mul3A_250 = arith.constant 512 : i32
        %mul3A_251 = arith.muli %scan3A_27, %mul3A_250 : i32
        %add3A_252 = arith.constant 400 : i32
        %add3A_253 = arith.addi %mul3A_251, %add3A_252 : i32
        %get3A_254 = arith.index_cast %add3A_253 : i32 to index
        %get3A_255 = tpu.vector_load %arg5[%get3A_254] {strides = array<i32>} : memref<4096xi32, #tpu.memory_space<vmem>>, vector<16xi32>,
        %gather3A_256 = tpu.vector_load_idx %arg6[%get3A_255] : memref<4096xf32, #tpu.memory_space<vmem>>[vector<16xi32>], vector<16xf32>,
        %swap3A_257 = arith.index_cast %add3A_253 : i32 to index
        %swap3A_258 = tpu.vector_load %arg7[%swap3A_257] {strides = array<i32>} : memref<4096xf32, #tpu.memory_space<vmem>>, vector<16xf32>,
        tpu.vector_store %arg7[%swap3A_257], %gather3A_256 {strides = array<i32>} : memref<4096xf32, #tpu.memory_space<vmem>>, vector<16xf32>,
        %mul3A_259 = arith.constant 512 : i32
        %mul3A_260 = arith.muli %scan3A_27, %mul3A_259 : i32
        %add3A_261 = arith.constant 416 : i32
        %add3A_262 = arith.addi %mul3A_260, %add3A_261 : i32
        %get3A_263 = arith.index_cast %add3A_262 : i32 to index
        %get3A_264 = tpu.vector_load %arg5[%get3A_263] {strides = array<i32>} : memref<4096xi32, #tpu.memory_space<vmem>>, vector<16xi32>,
        %gather3A_265 = tpu.vector_load_idx %arg6[%get3A_264] : memref<4096xf32, #tpu.memory_space<vmem>>[vector<16xi32>], vector<16xf32>,
        %swap3A_266 = arith.index_cast %add3A_262 : i32 to index
        %swap3A_267 = tpu.vector_load %arg7[%swap3A_266] {strides = array<i32>} : memref<4096xf32, #tpu.memory_space<vmem>>, vector<16xf32>,
        tpu.vector_store %arg7[%swap3A_266], %gather3A_265 {strides = array<i32>} : memref<4096xf32, #tpu.memory_space<vmem>>, vector<16xf32>,
        %mul3A_268 = arith.constant 512 : i32
        %mul3A_269 = arith.muli %scan3A_27, %mul3A_268 : i32
        %add3A_270 = arith.constant 432 : i32
        %add3A_271 = arith.addi %mul3A_269, %add3A_270 : i32
        %get3A_272 = arith.index_cast %add3A_271 : i32 to index
        %get3A_273 = tpu.vector_load %arg5[%get3A_272] {strides = array<i32>} : memref<4096xi32, #tpu.memory_space<vmem>>, vector<16xi32>,
        %gather3A_274 = tpu.vector_load_idx %arg6[%get3A_273] : memref<4096xf32, #tpu.memory_space<vmem>>[vector<16xi32>], vector<16xf32>,
        %swap3A_275 = arith.index_cast %add3A_271 : i32 to index
        %swap3A_276 = tpu.vector_load %arg7[%swap3A_275] {strides = array<i32>} : memref<4096xf32, #tpu.memory_space<vmem>>, vector<16xf32>,
        tpu.vector_store %arg7[%swap3A_275], %gather3A_274 {strides = array<i32>} : memref<4096xf32, #tpu.memory_space<vmem>>, vector<16xf32>,
        %mul3A_277 = arith.constant 512 : i32
        %mul3A_278 = arith.muli %scan3A_27, %mul3A_277 : i32
        %add3A_279 = arith.constant 448 : i32
        %add3A_280 = arith.addi %mul3A_278, %add3A_279 : i32
        %get3A_281 = arith.index_cast %add3A_280 : i32 to index
        %get3A_282 = tpu.vector_load %arg5[%get3A_281] {strides = array<i32>} : memref<4096xi32, #tpu.memory_space<vmem>>, vector<16xi32>,
        %gather3A_283 = tpu.vector_load_idx %arg6[%get3A_282] : memref<4096xf32, #tpu.memory_space<vmem>>[vector<16xi32>], vector<16xf32>,
        %swap3A_284 = arith.index_cast %add3A_280 : i32 to index
        %swap3A_285 = tpu.vector_load %arg7[%swap3A_284] {strides = array<i32>} : memref<4096xf32, #tpu.memory_space<vmem>>, vector<16xf32>,
        tpu.vector_store %arg7[%swap3A_284], %gather3A_283 {strides = array<i32>} : memref<4096xf32, #tpu.memory_space<vmem>>, vector<16xf32>,
        %mul3A_286 = arith.constant 512 : i32
        %mul3A_287 = arith.muli %scan3A_27, %mul3A_286 : i32
        %add3A_288 = arith.constant 464 : i32
        %add3A_289 = arith.addi %mul3A_287, %add3A_288 : i32
        %get3A_290 = arith.index_cast %add3A_289 : i32 to index
        %get3A_291 = tpu.vector_load %arg5[%get3A_290] {strides = array<i32>} : memref<4096xi32, #tpu.memory_space<vmem>>, vector<16xi32>,
        %gather3A_292 = tpu.vector_load_idx %arg6[%get3A_291] : memref<4096xf32, #tpu.memory_space<vmem>>[vector<16xi32>], vector<16xf32>,
        %swap3A_293 = arith.index_cast %add3A_289 : i32 to index
        %swap3A_294 = tpu.vector_load %arg7[%swap3A_293] {strides = array<i32>} : memref<4096xf32, #tpu.memory_space<vmem>>, vector<16xf32>,
        tpu.vector_store %arg7[%swap3A_293], %gather3A_292 {strides = array<i32>} : memref<4096xf32, #tpu.memory_space<vmem>>, vector<16xf32>,
        %mul3A_295 = arith.constant 512 : i32
        %mul3A_296 = arith.muli %scan3A_27, %mul3A_295 : i32
        %add3A_297 = arith.constant 480 : i32
        %add3A_298 = arith.addi %mul3A_296, %add3A_297 : i32
        %get3A_299 = arith.index_cast %add3A_298 : i32 to index
        %get3A_300 = tpu.vector_load %arg5[%get3A_299] {strides = array<i32>} : memref<4096xi32, #tpu.memory_space<vmem>>, vector<16xi32>,
        %gather3A_301 = tpu.vector_load_idx %arg6[%get3A_300] : memref<4096xf32, #tpu.memory_space<vmem>>[vector<16xi32>], vector<16xf32>,
        %swap3A_302 = arith.index_cast %add3A_298 : i32 to index
        %swap3A_303 = tpu.vector_load %arg7[%swap3A_302] {strides = array<i32>} : memref<4096xf32, #tpu.memory_space<vmem>>, vector<16xf32>,
        tpu.vector_store %arg7[%swap3A_302], %gather3A_301 {strides = array<i32>} : memref<4096xf32, #tpu.memory_space<vmem>>, vector<16xf32>,
        %mul3A_304 = arith.constant 512 : i32
        %mul3A_305 = arith.muli %scan3A_27, %mul3A_304 : i32
        %add3A_306 = arith.constant 496 : i32
        %add3A_307 = arith.addi %mul3A_305, %add3A_306 : i32
        %get3A_308 = arith.index_cast %add3A_307 : i32 to index
        %get3A_309 = tpu.vector_load %arg5[%get3A_308] {strides = array<i32>} : memref<4096xi32, #tpu.memory_space<vmem>>, vector<16xi32>,
        %gather3A_310 = tpu.vector_load_idx %arg6[%get3A_309] : memref<4096xf32, #tpu.memory_space<vmem>>[vector<16xi32>], vector<16xf32>,
        %swap3A_311 = arith.index_cast %add3A_307 : i32 to index
        %swap3A_312 = tpu.vector_load %arg7[%swap3A_311] {strides = array<i32>} : memref<4096xf32, #tpu.memory_space<vmem>>, vector<16xf32>,
        tpu.vector_store %arg7[%swap3A_311], %gather3A_310 {strides = array<i32>} : memref<4096xf32, #tpu.memory_space<vmem>>, vector<16xf32>,
      }
      %scan3A_24 = arith.constant 8 : i32
      %mul3A_25 = arith.constant 8192 : i32
      %mul3A_26 = arith.muli %while3A_17, %mul3A_25 : i32
      "tpu.region"() ({
        %run_scoped3A = tpu.sem_alloc : memref<!tpu.dma_semaphore, #tpu.memory_space<semaphore_mem>>
        %dma_start3A = tpu.memref_slice %arg4[%mul3A_26] : memref<6422528xf32, #tpu.memory_space<hbm>> -> memref<4096xf32, #tpu.memory_space<hbm>>
        %dma_start3A_27 = tpu.memref_slice %arg4[%mul3A_26] : memref<6422528xf32, #tpu.memory_space<hbm>> -> memref<4096xf32, #tpu.memory_space<hbm>>
        tpu.enqueue_dma source(%arg7 : memref<4096xf32, #tpu.memory_space<vmem>>) target(%dma_start3A_27 : memref<4096xf32, #tpu.memory_space<hbm>>) target_semaphore(%run_scoped3A : memref<!tpu.dma_semaphore, #tpu.memory_space<semaphore_mem>>)
        %dma_wait3A = tpu.memref_slice %arg4[%mul3A_26] : memref<6422528xf32, #tpu.memory_space<hbm>> -> memref<4096xf32, #tpu.memory_space<hbm>>
        %dma_wait3A_28 = tpu.memref_slice %arg4[%mul3A_26] : memref<6422528xf32, #tpu.memory_space<hbm>> -> memref<4096xf32, #tpu.memory_space<hbm>>
        tpu.wait_dma2 semaphore(%run_scoped3A : memref<!tpu.dma_semaphore, #tpu.memory_space<semaphore_mem>>) src(%arg7 : memref<4096xf32, #tpu.memory_space<vmem>>) dst(%dma_wait3A_28 : memref<4096xf32, #tpu.memory_space<hbm>>)
        tpu.yield
      }) : () -> ()
    }
    %while3A_16 = arith.constant 1 : i32
    scf.for %while3A_17 = %while3A_14 to %while3A_10 step %while3A_16  : i32 {
      %mul3A_18 = arith.constant 4096 : i32
      %mul3A_19 = arith.muli %while3A_17, %mul3A_18 : i32
      "tpu.region"() ({
        %run_scoped3A = tpu.sem_alloc : memref<!tpu.dma_semaphore, #tpu.memory_space<semaphore_mem>>
        %dma_start3A = tpu.memref_slice %arg2[%mul3A_19] : memref<3211264xf32, #tpu.memory_space<hbm>> -> memref<4096xf32, #tpu.memory_space<hbm>>
        %dma_start3A_27 = tpu.memref_slice %arg2[%mul3A_19] : memref<3211264xf32, #tpu.memory_space<hbm>> -> memref<4096xf32, #tpu.memory_space<hbm>>
        tpu.enqueue_dma source(%dma_start3A_27 : memref<4096xf32, #tpu.memory_space<hbm>>) target(%arg6 : memref<4096xf32, #tpu.memory_space<vmem>>) target_semaphore(%run_scoped3A : memref<!tpu.dma_semaphore, #tpu.memory_space<semaphore_mem>>)
        %dma_wait3A = tpu.memref_slice %arg2[%mul3A_19] : memref<3211264xf32, #tpu.memory_space<hbm>> -> memref<4096xf32, #tpu.memory_space<hbm>>
        %dma_wait3A_28 = tpu.memref_slice %arg2[%mul3A_19] : memref<3211264xf32, #tpu.memory_space<hbm>> -> memref<4096xf32, #tpu.memory_space<hbm>>
        tpu.wait_dma2 semaphore(%run_scoped3A : memref<!tpu.dma_semaphore, #tpu.memory_space<semaphore_mem>>) src(%dma_wait3A_28 : memref<4096xf32, #tpu.memory_space<hbm>>) dst(%arg6 : memref<4096xf32, #tpu.memory_space<vmem>>)
        tpu.yield
      }) : () -> ()
      %scan3A = arith.constant 0 : i32
      %scan3A_20 = arith.constant 0 : i32
      %scan3A_21 = arith.constant 8 : i32
      %scan3A_22 = arith.addi %scan3A_20, %scan3A_21 : i32
      %scan3A_23 = arith.constant 1 : i32
      scf.for %scan3A_27 = %scan3A_20 to %scan3A_22 step %scan3A_23  : i32 {
        %mul3A_28 = arith.constant 512 : i32
        %mul3A_29 = arith.muli %scan3A_27, %mul3A_28 : i32
        %add3A_30 = arith.constant 0 : i32
        %add3A_31 = arith.addi %mul3A_29, %add3A_30 : i32
        %get3A = arith.index_cast %add3A_31 : i32 to index
        %get3A_32 = tpu.vector_load %arg5[%get3A] {strides = array<i32>} : memref<4096xi32, #tpu.memory_space<vmem>>, vector<16xi32>,
        %gather3A = tpu.vector_load_idx %arg6[%get3A_32] : memref<4096xf32, #tpu.memory_space<vmem>>[vector<16xi32>], vector<16xf32>,
        %swap3A = arith.index_cast %add3A_31 : i32 to index
        %swap3A_33 = tpu.vector_load %arg7[%swap3A] {strides = array<i32>} : memref<4096xf32, #tpu.memory_space<vmem>>, vector<16xf32>,
        tpu.vector_store %arg7[%swap3A], %gather3A {strides = array<i32>} : memref<4096xf32, #tpu.memory_space<vmem>>, vector<16xf32>,
        %mul3A_34 = arith.constant 512 : i32
        %mul3A_35 = arith.muli %scan3A_27, %mul3A_34 : i32
        %add3A_36 = arith.constant 16 : i32
        %add3A_37 = arith.addi %mul3A_35, %add3A_36 : i32
        %get3A_38 = arith.index_cast %add3A_37 : i32 to index
        %get3A_39 = tpu.vector_load %arg5[%get3A_38] {strides = array<i32>} : memref<4096xi32, #tpu.memory_space<vmem>>, vector<16xi32>,
        %gather3A_40 = tpu.vector_load_idx %arg6[%get3A_39] : memref<4096xf32, #tpu.memory_space<vmem>>[vector<16xi32>], vector<16xf32>,
        %swap3A_41 = arith.index_cast %add3A_37 : i32 to index
        %swap3A_42 = tpu.vector_load %arg7[%swap3A_41] {strides = array<i32>} : memref<4096xf32, #tpu.memory_space<vmem>>, vector<16xf32>,
        tpu.vector_store %arg7[%swap3A_41], %gather3A_40 {strides = array<i32>} : memref<4096xf32, #tpu.memory_space<vmem>>, vector<16xf32>,
        %mul3A_43 = arith.constant 512 : i32
        %mul3A_44 = arith.muli %scan3A_27, %mul3A_43 : i32
        %add3A_45 = arith.constant 32 : i32
        %add3A_46 = arith.addi %mul3A_44, %add3A_45 : i32
        %get3A_47 = arith.index_cast %add3A_46 : i32 to index
        %get3A_48 = tpu.vector_load %arg5[%get3A_47] {strides = array<i32>} : memref<4096xi32, #tpu.memory_space<vmem>>, vector<16xi32>,
        %gather3A_49 = tpu.vector_load_idx %arg6[%get3A_48] : memref<4096xf32, #tpu.memory_space<vmem>>[vector<16xi32>], vector<16xf32>,
        %swap3A_50 = arith.index_cast %add3A_46 : i32 to index
        %swap3A_51 = tpu.vector_load %arg7[%swap3A_50] {strides = array<i32>} : memref<4096xf32, #tpu.memory_space<vmem>>, vector<16xf32>,
        tpu.vector_store %arg7[%swap3A_50], %gather3A_49 {strides = array<i32>} : memref<4096xf32, #tpu.memory_space<vmem>>, vector<16xf32>,
        %mul3A_52 = arith.constant 512 : i32
        %mul3A_53 = arith.muli %scan3A_27, %mul3A_52 : i32
        %add3A_54 = arith.constant 48 : i32
        %add3A_55 = arith.addi %mul3A_53, %add3A_54 : i32
        %get3A_56 = arith.index_cast %add3A_55 : i32 to index
        %get3A_57 = tpu.vector_load %arg5[%get3A_56] {strides = array<i32>} : memref<4096xi32, #tpu.memory_space<vmem>>, vector<16xi32>,
        %gather3A_58 = tpu.vector_load_idx %arg6[%get3A_57] : memref<4096xf32, #tpu.memory_space<vmem>>[vector<16xi32>], vector<16xf32>,
        %swap3A_59 = arith.index_cast %add3A_55 : i32 to index
        %swap3A_60 = tpu.vector_load %arg7[%swap3A_59] {strides = array<i32>} : memref<4096xf32, #tpu.memory_space<vmem>>, vector<16xf32>,
        tpu.vector_store %arg7[%swap3A_59], %gather3A_58 {strides = array<i32>} : memref<4096xf32, #tpu.memory_space<vmem>>, vector<16xf32>,
        %mul3A_61 = arith.constant 512 : i32
        %mul3A_62 = arith.muli %scan3A_27, %mul3A_61 : i32
        %add3A_63 = arith.constant 64 : i32
        %add3A_64 = arith.addi %mul3A_62, %add3A_63 : i32
        %get3A_65 = arith.index_cast %add3A_64 : i32 to index
        %get3A_66 = tpu.vector_load %arg5[%get3A_65] {strides = array<i32>} : memref<4096xi32, #tpu.memory_space<vmem>>, vector<16xi32>,
        %gather3A_67 = tpu.vector_load_idx %arg6[%get3A_66] : memref<4096xf32, #tpu.memory_space<vmem>>[vector<16xi32>], vector<16xf32>,
        %swap3A_68 = arith.index_cast %add3A_64 : i32 to index
        %swap3A_69 = tpu.vector_load %arg7[%swap3A_68] {strides = array<i32>} : memref<4096xf32, #tpu.memory_space<vmem>>, vector<16xf32>,
        tpu.vector_store %arg7[%swap3A_68], %gather3A_67 {strides = array<i32>} : memref<4096xf32, #tpu.memory_space<vmem>>, vector<16xf32>,
        %mul3A_70 = arith.constant 512 : i32
        %mul3A_71 = arith.muli %scan3A_27, %mul3A_70 : i32
        %add3A_72 = arith.constant 80 : i32
        %add3A_73 = arith.addi %mul3A_71, %add3A_72 : i32
        %get3A_74 = arith.index_cast %add3A_73 : i32 to index
        %get3A_75 = tpu.vector_load %arg5[%get3A_74] {strides = array<i32>} : memref<4096xi32, #tpu.memory_space<vmem>>, vector<16xi32>,
        %gather3A_76 = tpu.vector_load_idx %arg6[%get3A_75] : memref<4096xf32, #tpu.memory_space<vmem>>[vector<16xi32>], vector<16xf32>,
        %swap3A_77 = arith.index_cast %add3A_73 : i32 to index
        %swap3A_78 = tpu.vector_load %arg7[%swap3A_77] {strides = array<i32>} : memref<4096xf32, #tpu.memory_space<vmem>>, vector<16xf32>,
        tpu.vector_store %arg7[%swap3A_77], %gather3A_76 {strides = array<i32>} : memref<4096xf32, #tpu.memory_space<vmem>>, vector<16xf32>,
        %mul3A_79 = arith.constant 512 : i32
        %mul3A_80 = arith.muli %scan3A_27, %mul3A_79 : i32
        %add3A_81 = arith.constant 96 : i32
        %add3A_82 = arith.addi %mul3A_80, %add3A_81 : i32
        %get3A_83 = arith.index_cast %add3A_82 : i32 to index
        %get3A_84 = tpu.vector_load %arg5[%get3A_83] {strides = array<i32>} : memref<4096xi32, #tpu.memory_space<vmem>>, vector<16xi32>,
        %gather3A_85 = tpu.vector_load_idx %arg6[%get3A_84] : memref<4096xf32, #tpu.memory_space<vmem>>[vector<16xi32>], vector<16xf32>,
        %swap3A_86 = arith.index_cast %add3A_82 : i32 to index
        %swap3A_87 = tpu.vector_load %arg7[%swap3A_86] {strides = array<i32>} : memref<4096xf32, #tpu.memory_space<vmem>>, vector<16xf32>,
        tpu.vector_store %arg7[%swap3A_86], %gather3A_85 {strides = array<i32>} : memref<4096xf32, #tpu.memory_space<vmem>>, vector<16xf32>,
        %mul3A_88 = arith.constant 512 : i32
        %mul3A_89 = arith.muli %scan3A_27, %mul3A_88 : i32
        %add3A_90 = arith.constant 112 : i32
        %add3A_91 = arith.addi %mul3A_89, %add3A_90 : i32
        %get3A_92 = arith.index_cast %add3A_91 : i32 to index
        %get3A_93 = tpu.vector_load %arg5[%get3A_92] {strides = array<i32>} : memref<4096xi32, #tpu.memory_space<vmem>>, vector<16xi32>,
        %gather3A_94 = tpu.vector_load_idx %arg6[%get3A_93] : memref<4096xf32, #tpu.memory_space<vmem>>[vector<16xi32>], vector<16xf32>,
        %swap3A_95 = arith.index_cast %add3A_91 : i32 to index
        %swap3A_96 = tpu.vector_load %arg7[%swap3A_95] {strides = array<i32>} : memref<4096xf32, #tpu.memory_space<vmem>>, vector<16xf32>,
        tpu.vector_store %arg7[%swap3A_95], %gather3A_94 {strides = array<i32>} : memref<4096xf32, #tpu.memory_space<vmem>>, vector<16xf32>,
        %mul3A_97 = arith.constant 512 : i32
        %mul3A_98 = arith.muli %scan3A_27, %mul3A_97 : i32
        %add3A_99 = arith.constant 128 : i32
        %add3A_100 = arith.addi %mul3A_98, %add3A_99 : i32
        %get3A_101 = arith.index_cast %add3A_100 : i32 to index
        %get3A_102 = tpu.vector_load %arg5[%get3A_101] {strides = array<i32>} : memref<4096xi32, #tpu.memory_space<vmem>>, vector<16xi32>,
        %gather3A_103 = tpu.vector_load_idx %arg6[%get3A_102] : memref<4096xf32, #tpu.memory_space<vmem>>[vector<16xi32>], vector<16xf32>,
        %swap3A_104 = arith.index_cast %add3A_100 : i32 to index
        %swap3A_105 = tpu.vector_load %arg7[%swap3A_104] {strides = array<i32>} : memref<4096xf32, #tpu.memory_space<vmem>>, vector<16xf32>,
        tpu.vector_store %arg7[%swap3A_104], %gather3A_103 {strides = array<i32>} : memref<4096xf32, #tpu.memory_space<vmem>>, vector<16xf32>,
        %mul3A_106 = arith.constant 512 : i32
        %mul3A_107 = arith.muli %scan3A_27, %mul3A_106 : i32
        %add3A_108 = arith.constant 144 : i32
        %add3A_109 = arith.addi %mul3A_107, %add3A_108 : i32
        %get3A_110 = arith.index_cast %add3A_109 : i32 to index
        %get3A_111 = tpu.vector_load %arg5[%get3A_110] {strides = array<i32>} : memref<4096xi32, #tpu.memory_space<vmem>>, vector<16xi32>,
        %gather3A_112 = tpu.vector_load_idx %arg6[%get3A_111] : memref<4096xf32, #tpu.memory_space<vmem>>[vector<16xi32>], vector<16xf32>,
        %swap3A_113 = arith.index_cast %add3A_109 : i32 to index
        %swap3A_114 = tpu.vector_load %arg7[%swap3A_113] {strides = array<i32>} : memref<4096xf32, #tpu.memory_space<vmem>>, vector<16xf32>,
        tpu.vector_store %arg7[%swap3A_113], %gather3A_112 {strides = array<i32>} : memref<4096xf32, #tpu.memory_space<vmem>>, vector<16xf32>,
        %mul3A_115 = arith.constant 512 : i32
        %mul3A_116 = arith.muli %scan3A_27, %mul3A_115 : i32
        %add3A_117 = arith.constant 160 : i32
        %add3A_118 = arith.addi %mul3A_116, %add3A_117 : i32
        %get3A_119 = arith.index_cast %add3A_118 : i32 to index
        %get3A_120 = tpu.vector_load %arg5[%get3A_119] {strides = array<i32>} : memref<4096xi32, #tpu.memory_space<vmem>>, vector<16xi32>,
        %gather3A_121 = tpu.vector_load_idx %arg6[%get3A_120] : memref<4096xf32, #tpu.memory_space<vmem>>[vector<16xi32>], vector<16xf32>,
        %swap3A_122 = arith.index_cast %add3A_118 : i32 to index
        %swap3A_123 = tpu.vector_load %arg7[%swap3A_122] {strides = array<i32>} : memref<4096xf32, #tpu.memory_space<vmem>>, vector<16xf32>,
        tpu.vector_store %arg7[%swap3A_122], %gather3A_121 {strides = array<i32>} : memref<4096xf32, #tpu.memory_space<vmem>>, vector<16xf32>,
        %mul3A_124 = arith.constant 512 : i32
        %mul3A_125 = arith.muli %scan3A_27, %mul3A_124 : i32
        %add3A_126 = arith.constant 176 : i32
        %add3A_127 = arith.addi %mul3A_125, %add3A_126 : i32
        %get3A_128 = arith.index_cast %add3A_127 : i32 to index
        %get3A_129 = tpu.vector_load %arg5[%get3A_128] {strides = array<i32>} : memref<4096xi32, #tpu.memory_space<vmem>>, vector<16xi32>,
        %gather3A_130 = tpu.vector_load_idx %arg6[%get3A_129] : memref<4096xf32, #tpu.memory_space<vmem>>[vector<16xi32>], vector<16xf32>,
        %swap3A_131 = arith.index_cast %add3A_127 : i32 to index
        %swap3A_132 = tpu.vector_load %arg7[%swap3A_131] {strides = array<i32>} : memref<4096xf32, #tpu.memory_space<vmem>>, vector<16xf32>,
        tpu.vector_store %arg7[%swap3A_131], %gather3A_130 {strides = array<i32>} : memref<4096xf32, #tpu.memory_space<vmem>>, vector<16xf32>,
        %mul3A_133 = arith.constant 512 : i32
        %mul3A_134 = arith.muli %scan3A_27, %mul3A_133 : i32
        %add3A_135 = arith.constant 192 : i32
        %add3A_136 = arith.addi %mul3A_134, %add3A_135 : i32
        %get3A_137 = arith.index_cast %add3A_136 : i32 to index
        %get3A_138 = tpu.vector_load %arg5[%get3A_137] {strides = array<i32>} : memref<4096xi32, #tpu.memory_space<vmem>>, vector<16xi32>,
        %gather3A_139 = tpu.vector_load_idx %arg6[%get3A_138] : memref<4096xf32, #tpu.memory_space<vmem>>[vector<16xi32>], vector<16xf32>,
        %swap3A_140 = arith.index_cast %add3A_136 : i32 to index
        %swap3A_141 = tpu.vector_load %arg7[%swap3A_140] {strides = array<i32>} : memref<4096xf32, #tpu.memory_space<vmem>>, vector<16xf32>,
        tpu.vector_store %arg7[%swap3A_140], %gather3A_139 {strides = array<i32>} : memref<4096xf32, #tpu.memory_space<vmem>>, vector<16xf32>,
        %mul3A_142 = arith.constant 512 : i32
        %mul3A_143 = arith.muli %scan3A_27, %mul3A_142 : i32
        %add3A_144 = arith.constant 208 : i32
        %add3A_145 = arith.addi %mul3A_143, %add3A_144 : i32
        %get3A_146 = arith.index_cast %add3A_145 : i32 to index
        %get3A_147 = tpu.vector_load %arg5[%get3A_146] {strides = array<i32>} : memref<4096xi32, #tpu.memory_space<vmem>>, vector<16xi32>,
        %gather3A_148 = tpu.vector_load_idx %arg6[%get3A_147] : memref<4096xf32, #tpu.memory_space<vmem>>[vector<16xi32>], vector<16xf32>,
        %swap3A_149 = arith.index_cast %add3A_145 : i32 to index
        %swap3A_150 = tpu.vector_load %arg7[%swap3A_149] {strides = array<i32>} : memref<4096xf32, #tpu.memory_space<vmem>>, vector<16xf32>,
        tpu.vector_store %arg7[%swap3A_149], %gather3A_148 {strides = array<i32>} : memref<4096xf32, #tpu.memory_space<vmem>>, vector<16xf32>,
        %mul3A_151 = arith.constant 512 : i32
        %mul3A_152 = arith.muli %scan3A_27, %mul3A_151 : i32
        %add3A_153 = arith.constant 224 : i32
        %add3A_154 = arith.addi %mul3A_152, %add3A_153 : i32
        %get3A_155 = arith.index_cast %add3A_154 : i32 to index
        %get3A_156 = tpu.vector_load %arg5[%get3A_155] {strides = array<i32>} : memref<4096xi32, #tpu.memory_space<vmem>>, vector<16xi32>,
        %gather3A_157 = tpu.vector_load_idx %arg6[%get3A_156] : memref<4096xf32, #tpu.memory_space<vmem>>[vector<16xi32>], vector<16xf32>,
        %swap3A_158 = arith.index_cast %add3A_154 : i32 to index
        %swap3A_159 = tpu.vector_load %arg7[%swap3A_158] {strides = array<i32>} : memref<4096xf32, #tpu.memory_space<vmem>>, vector<16xf32>,
        tpu.vector_store %arg7[%swap3A_158], %gather3A_157 {strides = array<i32>} : memref<4096xf32, #tpu.memory_space<vmem>>, vector<16xf32>,
        %mul3A_160 = arith.constant 512 : i32
        %mul3A_161 = arith.muli %scan3A_27, %mul3A_160 : i32
        %add3A_162 = arith.constant 240 : i32
        %add3A_163 = arith.addi %mul3A_161, %add3A_162 : i32
        %get3A_164 = arith.index_cast %add3A_163 : i32 to index
        %get3A_165 = tpu.vector_load %arg5[%get3A_164] {strides = array<i32>} : memref<4096xi32, #tpu.memory_space<vmem>>, vector<16xi32>,
        %gather3A_166 = tpu.vector_load_idx %arg6[%get3A_165] : memref<4096xf32, #tpu.memory_space<vmem>>[vector<16xi32>], vector<16xf32>,
        %swap3A_167 = arith.index_cast %add3A_163 : i32 to index
        %swap3A_168 = tpu.vector_load %arg7[%swap3A_167] {strides = array<i32>} : memref<4096xf32, #tpu.memory_space<vmem>>, vector<16xf32>,
        tpu.vector_store %arg7[%swap3A_167], %gather3A_166 {strides = array<i32>} : memref<4096xf32, #tpu.memory_space<vmem>>, vector<16xf32>,
        %mul3A_169 = arith.constant 512 : i32
        %mul3A_170 = arith.muli %scan3A_27, %mul3A_169 : i32
        %add3A_171 = arith.constant 256 : i32
        %add3A_172 = arith.addi %mul3A_170, %add3A_171 : i32
        %get3A_173 = arith.index_cast %add3A_172 : i32 to index
        %get3A_174 = tpu.vector_load %arg5[%get3A_173] {strides = array<i32>} : memref<4096xi32, #tpu.memory_space<vmem>>, vector<16xi32>,
        %gather3A_175 = tpu.vector_load_idx %arg6[%get3A_174] : memref<4096xf32, #tpu.memory_space<vmem>>[vector<16xi32>], vector<16xf32>,
        %swap3A_176 = arith.index_cast %add3A_172 : i32 to index
        %swap3A_177 = tpu.vector_load %arg7[%swap3A_176] {strides = array<i32>} : memref<4096xf32, #tpu.memory_space<vmem>>, vector<16xf32>,
        tpu.vector_store %arg7[%swap3A_176], %gather3A_175 {strides = array<i32>} : memref<4096xf32, #tpu.memory_space<vmem>>, vector<16xf32>,
        %mul3A_178 = arith.constant 512 : i32
        %mul3A_179 = arith.muli %scan3A_27, %mul3A_178 : i32
        %add3A_180 = arith.constant 272 : i32
        %add3A_181 = arith.addi %mul3A_179, %add3A_180 : i32
        %get3A_182 = arith.index_cast %add3A_181 : i32 to index
        %get3A_183 = tpu.vector_load %arg5[%get3A_182] {strides = array<i32>} : memref<4096xi32, #tpu.memory_space<vmem>>, vector<16xi32>,
        %gather3A_184 = tpu.vector_load_idx %arg6[%get3A_183] : memref<4096xf32, #tpu.memory_space<vmem>>[vector<16xi32>], vector<16xf32>,
        %swap3A_185 = arith.index_cast %add3A_181 : i32 to index
        %swap3A_186 = tpu.vector_load %arg7[%swap3A_185] {strides = array<i32>} : memref<4096xf32, #tpu.memory_space<vmem>>, vector<16xf32>,
        tpu.vector_store %arg7[%swap3A_185], %gather3A_184 {strides = array<i32>} : memref<4096xf32, #tpu.memory_space<vmem>>, vector<16xf32>,
        %mul3A_187 = arith.constant 512 : i32
        %mul3A_188 = arith.muli %scan3A_27, %mul3A_187 : i32
        %add3A_189 = arith.constant 288 : i32
        %add3A_190 = arith.addi %mul3A_188, %add3A_189 : i32
        %get3A_191 = arith.index_cast %add3A_190 : i32 to index
        %get3A_192 = tpu.vector_load %arg5[%get3A_191] {strides = array<i32>} : memref<4096xi32, #tpu.memory_space<vmem>>, vector<16xi32>,
        %gather3A_193 = tpu.vector_load_idx %arg6[%get3A_192] : memref<4096xf32, #tpu.memory_space<vmem>>[vector<16xi32>], vector<16xf32>,
        %swap3A_194 = arith.index_cast %add3A_190 : i32 to index
        %swap3A_195 = tpu.vector_load %arg7[%swap3A_194] {strides = array<i32>} : memref<4096xf32, #tpu.memory_space<vmem>>, vector<16xf32>,
        tpu.vector_store %arg7[%swap3A_194], %gather3A_193 {strides = array<i32>} : memref<4096xf32, #tpu.memory_space<vmem>>, vector<16xf32>,
        %mul3A_196 = arith.constant 512 : i32
        %mul3A_197 = arith.muli %scan3A_27, %mul3A_196 : i32
        %add3A_198 = arith.constant 304 : i32
        %add3A_199 = arith.addi %mul3A_197, %add3A_198 : i32
        %get3A_200 = arith.index_cast %add3A_199 : i32 to index
        %get3A_201 = tpu.vector_load %arg5[%get3A_200] {strides = array<i32>} : memref<4096xi32, #tpu.memory_space<vmem>>, vector<16xi32>,
        %gather3A_202 = tpu.vector_load_idx %arg6[%get3A_201] : memref<4096xf32, #tpu.memory_space<vmem>>[vector<16xi32>], vector<16xf32>,
        %swap3A_203 = arith.index_cast %add3A_199 : i32 to index
        %swap3A_204 = tpu.vector_load %arg7[%swap3A_203] {strides = array<i32>} : memref<4096xf32, #tpu.memory_space<vmem>>, vector<16xf32>,
        tpu.vector_store %arg7[%swap3A_203], %gather3A_202 {strides = array<i32>} : memref<4096xf32, #tpu.memory_space<vmem>>, vector<16xf32>,
        %mul3A_205 = arith.constant 512 : i32
        %mul3A_206 = arith.muli %scan3A_27, %mul3A_205 : i32
        %add3A_207 = arith.constant 320 : i32
        %add3A_208 = arith.addi %mul3A_206, %add3A_207 : i32
        %get3A_209 = arith.index_cast %add3A_208 : i32 to index
        %get3A_210 = tpu.vector_load %arg5[%get3A_209] {strides = array<i32>} : memref<4096xi32, #tpu.memory_space<vmem>>, vector<16xi32>,
        %gather3A_211 = tpu.vector_load_idx %arg6[%get3A_210] : memref<4096xf32, #tpu.memory_space<vmem>>[vector<16xi32>], vector<16xf32>,
        %swap3A_212 = arith.index_cast %add3A_208 : i32 to index
        %swap3A_213 = tpu.vector_load %arg7[%swap3A_212] {strides = array<i32>} : memref<4096xf32, #tpu.memory_space<vmem>>, vector<16xf32>,
        tpu.vector_store %arg7[%swap3A_212], %gather3A_211 {strides = array<i32>} : memref<4096xf32, #tpu.memory_space<vmem>>, vector<16xf32>,
        %mul3A_214 = arith.constant 512 : i32
        %mul3A_215 = arith.muli %scan3A_27, %mul3A_214 : i32
        %add3A_216 = arith.constant 336 : i32
        %add3A_217 = arith.addi %mul3A_215, %add3A_216 : i32
        %get3A_218 = arith.index_cast %add3A_217 : i32 to index
        %get3A_219 = tpu.vector_load %arg5[%get3A_218] {strides = array<i32>} : memref<4096xi32, #tpu.memory_space<vmem>>, vector<16xi32>,
        %gather3A_220 = tpu.vector_load_idx %arg6[%get3A_219] : memref<4096xf32, #tpu.memory_space<vmem>>[vector<16xi32>], vector<16xf32>,
        %swap3A_221 = arith.index_cast %add3A_217 : i32 to index
        %swap3A_222 = tpu.vector_load %arg7[%swap3A_221] {strides = array<i32>} : memref<4096xf32, #tpu.memory_space<vmem>>, vector<16xf32>,
        tpu.vector_store %arg7[%swap3A_221], %gather3A_220 {strides = array<i32>} : memref<4096xf32, #tpu.memory_space<vmem>>, vector<16xf32>,
        %mul3A_223 = arith.constant 512 : i32
        %mul3A_224 = arith.muli %scan3A_27, %mul3A_223 : i32
        %add3A_225 = arith.constant 352 : i32
        %add3A_226 = arith.addi %mul3A_224, %add3A_225 : i32
        %get3A_227 = arith.index_cast %add3A_226 : i32 to index
        %get3A_228 = tpu.vector_load %arg5[%get3A_227] {strides = array<i32>} : memref<4096xi32, #tpu.memory_space<vmem>>, vector<16xi32>,
        %gather3A_229 = tpu.vector_load_idx %arg6[%get3A_228] : memref<4096xf32, #tpu.memory_space<vmem>>[vector<16xi32>], vector<16xf32>,
        %swap3A_230 = arith.index_cast %add3A_226 : i32 to index
        %swap3A_231 = tpu.vector_load %arg7[%swap3A_230] {strides = array<i32>} : memref<4096xf32, #tpu.memory_space<vmem>>, vector<16xf32>,
        tpu.vector_store %arg7[%swap3A_230], %gather3A_229 {strides = array<i32>} : memref<4096xf32, #tpu.memory_space<vmem>>, vector<16xf32>,
        %mul3A_232 = arith.constant 512 : i32
        %mul3A_233 = arith.muli %scan3A_27, %mul3A_232 : i32
        %add3A_234 = arith.constant 368 : i32
        %add3A_235 = arith.addi %mul3A_233, %add3A_234 : i32
        %get3A_236 = arith.index_cast %add3A_235 : i32 to index
        %get3A_237 = tpu.vector_load %arg5[%get3A_236] {strides = array<i32>} : memref<4096xi32, #tpu.memory_space<vmem>>, vector<16xi32>,
        %gather3A_238 = tpu.vector_load_idx %arg6[%get3A_237] : memref<4096xf32, #tpu.memory_space<vmem>>[vector<16xi32>], vector<16xf32>,
        %swap3A_239 = arith.index_cast %add3A_235 : i32 to index
        %swap3A_240 = tpu.vector_load %arg7[%swap3A_239] {strides = array<i32>} : memref<4096xf32, #tpu.memory_space<vmem>>, vector<16xf32>,
        tpu.vector_store %arg7[%swap3A_239], %gather3A_238 {strides = array<i32>} : memref<4096xf32, #tpu.memory_space<vmem>>, vector<16xf32>,
        %mul3A_241 = arith.constant 512 : i32
        %mul3A_242 = arith.muli %scan3A_27, %mul3A_241 : i32
        %add3A_243 = arith.constant 384 : i32
        %add3A_244 = arith.addi %mul3A_242, %add3A_243 : i32
        %get3A_245 = arith.index_cast %add3A_244 : i32 to index
        %get3A_246 = tpu.vector_load %arg5[%get3A_245] {strides = array<i32>} : memref<4096xi32, #tpu.memory_space<vmem>>, vector<16xi32>,
        %gather3A_247 = tpu.vector_load_idx %arg6[%get3A_246] : memref<4096xf32, #tpu.memory_space<vmem>>[vector<16xi32>], vector<16xf32>,
        %swap3A_248 = arith.index_cast %add3A_244 : i32 to index
        %swap3A_249 = tpu.vector_load %arg7[%swap3A_248] {strides = array<i32>} : memref<4096xf32, #tpu.memory_space<vmem>>, vector<16xf32>,
        tpu.vector_store %arg7[%swap3A_248], %gather3A_247 {strides = array<i32>} : memref<4096xf32, #tpu.memory_space<vmem>>, vector<16xf32>,
        %mul3A_250 = arith.constant 512 : i32
        %mul3A_251 = arith.muli %scan3A_27, %mul3A_250 : i32
        %add3A_252 = arith.constant 400 : i32
        %add3A_253 = arith.addi %mul3A_251, %add3A_252 : i32
        %get3A_254 = arith.index_cast %add3A_253 : i32 to index
        %get3A_255 = tpu.vector_load %arg5[%get3A_254] {strides = array<i32>} : memref<4096xi32, #tpu.memory_space<vmem>>, vector<16xi32>,
        %gather3A_256 = tpu.vector_load_idx %arg6[%get3A_255] : memref<4096xf32, #tpu.memory_space<vmem>>[vector<16xi32>], vector<16xf32>,
        %swap3A_257 = arith.index_cast %add3A_253 : i32 to index
        %swap3A_258 = tpu.vector_load %arg7[%swap3A_257] {strides = array<i32>} : memref<4096xf32, #tpu.memory_space<vmem>>, vector<16xf32>,
        tpu.vector_store %arg7[%swap3A_257], %gather3A_256 {strides = array<i32>} : memref<4096xf32, #tpu.memory_space<vmem>>, vector<16xf32>,
        %mul3A_259 = arith.constant 512 : i32
        %mul3A_260 = arith.muli %scan3A_27, %mul3A_259 : i32
        %add3A_261 = arith.constant 416 : i32
        %add3A_262 = arith.addi %mul3A_260, %add3A_261 : i32
        %get3A_263 = arith.index_cast %add3A_262 : i32 to index
        %get3A_264 = tpu.vector_load %arg5[%get3A_263] {strides = array<i32>} : memref<4096xi32, #tpu.memory_space<vmem>>, vector<16xi32>,
        %gather3A_265 = tpu.vector_load_idx %arg6[%get3A_264] : memref<4096xf32, #tpu.memory_space<vmem>>[vector<16xi32>], vector<16xf32>,
        %swap3A_266 = arith.index_cast %add3A_262 : i32 to index
        %swap3A_267 = tpu.vector_load %arg7[%swap3A_266] {strides = array<i32>} : memref<4096xf32, #tpu.memory_space<vmem>>, vector<16xf32>,
        tpu.vector_store %arg7[%swap3A_266], %gather3A_265 {strides = array<i32>} : memref<4096xf32, #tpu.memory_space<vmem>>, vector<16xf32>,
        %mul3A_268 = arith.constant 512 : i32
        %mul3A_269 = arith.muli %scan3A_27, %mul3A_268 : i32
        %add3A_270 = arith.constant 432 : i32
        %add3A_271 = arith.addi %mul3A_269, %add3A_270 : i32
        %get3A_272 = arith.index_cast %add3A_271 : i32 to index
        %get3A_273 = tpu.vector_load %arg5[%get3A_272] {strides = array<i32>} : memref<4096xi32, #tpu.memory_space<vmem>>, vector<16xi32>,
        %gather3A_274 = tpu.vector_load_idx %arg6[%get3A_273] : memref<4096xf32, #tpu.memory_space<vmem>>[vector<16xi32>], vector<16xf32>,
        %swap3A_275 = arith.index_cast %add3A_271 : i32 to index
        %swap3A_276 = tpu.vector_load %arg7[%swap3A_275] {strides = array<i32>} : memref<4096xf32, #tpu.memory_space<vmem>>, vector<16xf32>,
        tpu.vector_store %arg7[%swap3A_275], %gather3A_274 {strides = array<i32>} : memref<4096xf32, #tpu.memory_space<vmem>>, vector<16xf32>,
        %mul3A_277 = arith.constant 512 : i32
        %mul3A_278 = arith.muli %scan3A_27, %mul3A_277 : i32
        %add3A_279 = arith.constant 448 : i32
        %add3A_280 = arith.addi %mul3A_278, %add3A_279 : i32
        %get3A_281 = arith.index_cast %add3A_280 : i32 to index
        %get3A_282 = tpu.vector_load %arg5[%get3A_281] {strides = array<i32>} : memref<4096xi32, #tpu.memory_space<vmem>>, vector<16xi32>,
        %gather3A_283 = tpu.vector_load_idx %arg6[%get3A_282] : memref<4096xf32, #tpu.memory_space<vmem>>[vector<16xi32>], vector<16xf32>,
        %swap3A_284 = arith.index_cast %add3A_280 : i32 to index
        %swap3A_285 = tpu.vector_load %arg7[%swap3A_284] {strides = array<i32>} : memref<4096xf32, #tpu.memory_space<vmem>>, vector<16xf32>,
        tpu.vector_store %arg7[%swap3A_284], %gather3A_283 {strides = array<i32>} : memref<4096xf32, #tpu.memory_space<vmem>>, vector<16xf32>,
        %mul3A_286 = arith.constant 512 : i32
        %mul3A_287 = arith.muli %scan3A_27, %mul3A_286 : i32
        %add3A_288 = arith.constant 464 : i32
        %add3A_289 = arith.addi %mul3A_287, %add3A_288 : i32
        %get3A_290 = arith.index_cast %add3A_289 : i32 to index
        %get3A_291 = tpu.vector_load %arg5[%get3A_290] {strides = array<i32>} : memref<4096xi32, #tpu.memory_space<vmem>>, vector<16xi32>,
        %gather3A_292 = tpu.vector_load_idx %arg6[%get3A_291] : memref<4096xf32, #tpu.memory_space<vmem>>[vector<16xi32>], vector<16xf32>,
        %swap3A_293 = arith.index_cast %add3A_289 : i32 to index
        %swap3A_294 = tpu.vector_load %arg7[%swap3A_293] {strides = array<i32>} : memref<4096xf32, #tpu.memory_space<vmem>>, vector<16xf32>,
        tpu.vector_store %arg7[%swap3A_293], %gather3A_292 {strides = array<i32>} : memref<4096xf32, #tpu.memory_space<vmem>>, vector<16xf32>,
        %mul3A_295 = arith.constant 512 : i32
        %mul3A_296 = arith.muli %scan3A_27, %mul3A_295 : i32
        %add3A_297 = arith.constant 480 : i32
        %add3A_298 = arith.addi %mul3A_296, %add3A_297 : i32
        %get3A_299 = arith.index_cast %add3A_298 : i32 to index
        %get3A_300 = tpu.vector_load %arg5[%get3A_299] {strides = array<i32>} : memref<4096xi32, #tpu.memory_space<vmem>>, vector<16xi32>,
        %gather3A_301 = tpu.vector_load_idx %arg6[%get3A_300] : memref<4096xf32, #tpu.memory_space<vmem>>[vector<16xi32>], vector<16xf32>,
        %swap3A_302 = arith.index_cast %add3A_298 : i32 to index
        %swap3A_303 = tpu.vector_load %arg7[%swap3A_302] {strides = array<i32>} : memref<4096xf32, #tpu.memory_space<vmem>>, vector<16xf32>,
        tpu.vector_store %arg7[%swap3A_302], %gather3A_301 {strides = array<i32>} : memref<4096xf32, #tpu.memory_space<vmem>>, vector<16xf32>,
        %mul3A_304 = arith.constant 512 : i32
        %mul3A_305 = arith.muli %scan3A_27, %mul3A_304 : i32
        %add3A_306 = arith.constant 496 : i32
        %add3A_307 = arith.addi %mul3A_305, %add3A_306 : i32
        %get3A_308 = arith.index_cast %add3A_307 : i32 to index
        %get3A_309 = tpu.vector_load %arg5[%get3A_308] {strides = array<i32>} : memref<4096xi32, #tpu.memory_space<vmem>>, vector<16xi32>,
        %gather3A_310 = tpu.vector_load_idx %arg6[%get3A_309] : memref<4096xf32, #tpu.memory_space<vmem>>[vector<16xi32>], vector<16xf32>,
        %swap3A_311 = arith.index_cast %add3A_307 : i32 to index
        %swap3A_312 = tpu.vector_load %arg7[%swap3A_311] {strides = array<i32>} : memref<4096xf32, #tpu.memory_space<vmem>>, vector<16xf32>,
        tpu.vector_store %arg7[%swap3A_311], %gather3A_310 {strides = array<i32>} : memref<4096xf32, #tpu.memory_space<vmem>>, vector<16xf32>,
      }
      %scan3A_24 = arith.constant 8 : i32
      %mul3A_25 = arith.constant 8192 : i32
      %mul3A_26 = arith.muli %while3A_17, %mul3A_25 : i32
      "tpu.region"() ({
        %run_scoped3A = tpu.sem_alloc : memref<!tpu.dma_semaphore, #tpu.memory_space<semaphore_mem>>
        %dma_start3A = tpu.memref_slice %arg4[%mul3A_26] : memref<6422528xf32, #tpu.memory_space<hbm>> -> memref<4096xf32, #tpu.memory_space<hbm>>
        %dma_start3A_27 = tpu.memref_slice %arg4[%mul3A_26] : memref<6422528xf32, #tpu.memory_space<hbm>> -> memref<4096xf32, #tpu.memory_space<hbm>>
        tpu.enqueue_dma source(%arg7 : memref<4096xf32, #tpu.memory_space<vmem>>) target(%dma_start3A_27 : memref<4096xf32, #tpu.memory_space<hbm>>) target_semaphore(%run_scoped3A : memref<!tpu.dma_semaphore, #tpu.memory_space<semaphore_mem>>)
        %dma_wait3A = tpu.memref_slice %arg4[%mul3A_26] : memref<6422528xf32, #tpu.memory_space<hbm>> -> memref<4096xf32, #tpu.memory_space<hbm>>
        %dma_wait3A_28 = tpu.memref_slice %arg4[%mul3A_26] : memref<6422528xf32, #tpu.memory_space<hbm>> -> memref<4096xf32, #tpu.memory_space<hbm>>
        tpu.wait_dma2 semaphore(%run_scoped3A : memref<!tpu.dma_semaphore, #tpu.memory_space<semaphore_mem>>) src(%arg7 : memref<4096xf32, #tpu.memory_space<vmem>>) dst(%dma_wait3A_28 : memref<4096xf32, #tpu.memory_space<hbm>>)
        tpu.yield
      }) : () -> ()
    }
    return
  }
}

module attributes {stable_mosaic.version = 14 : i64} {
  func.func @body(%arg0: i32, %arg1: memref<1x28x8x512xf32, #tpu.memory_space<vmem>>, %arg2: memref<512xi32, #tpu.memory_space<vmem>>, %arg3: memref<1x28x8x512xf32, #tpu.memory_space<vmem>>) attributes {dimension_semantics = [#tpu.dimension_semantics<arbitrary>], iteration_bounds = array<i64: 28>, scalar_prefetch = 0 : i64, scratch_operands = 0 : i64, tpu.core_type = #tpu.core_type<tc>, window_params = [{transform_indices = @transform_0, window_bounds = array<i64: 1, 28, 8, 512>}, {pipeline_mode = #tpu.pipeline_mode<synchronous>, transform_indices = @transform_1, window_bounds = array<i64: 512>}, {transform_indices = @transform_2, window_bounds = array<i64: 1, 28, 8, 512>}]} {
    %get3A = arith.constant 0 : index
    %get3A_0 = arith.constant 0 : index
    %get3A_1 = arith.constant 0 : index
    %get3A_2 = arith.constant 0 : index
    %get3A_3 = vector.load %arg1[%get3A, %get3A_0, %get3A_1, %get3A_2] : memref<1x28x8x512xf32, #tpu.memory_space<vmem>>, vector<1x28x8x512xf32>
    %reshape3A = vector.shape_cast %get3A_3 : vector<1x28x8x512xf32> to vector<224x512xf32>
    %get3A_4 = arith.constant 0 : index
    %get3A_5 = vector.load %arg2[%get3A_4] : memref<512xi32, #tpu.memory_space<vmem>>, vector<512xi32>
    %and3A = arith.constant 127 : i32
    %and3A_6 = vector.broadcast %and3A : i32 to vector<512xi32>
    %and3A_7 = arith.andi %get3A_5, %and3A_6 : vector<512xi32>
    %broadcast_in_dim3A = vector.shape_cast %and3A_7 : vector<512xi32> to vector<1x512xi32>
    %broadcast_in_dim3A_8 = vector.shape_cast %broadcast_in_dim3A : vector<1x512xi32> to vector<1x512xi32>
    %broadcast_in_dim3A_9 = vector.broadcast %broadcast_in_dim3A_8 : vector<1x512xi32> to vector<224x512xi32>
    %shift_right_arithmetic3A = arith.constant 7 : i32
    %shift_right_arithmetic3A_10 = vector.broadcast %shift_right_arithmetic3A : i32 to vector<512xi32>
    %shift_right_arithmetic3A_11 = arith.shrsi %get3A_5, %shift_right_arithmetic3A_10 : vector<512xi32>
    %slice3A = vector.extract_strided_slice %reshape3A {offsets = [0, 0], sizes = [224, 128], strides = [1, 1]} : vector<224x512xf32> to vector<224x128xf32>
    %lt3A = arith.constant 0 : i32
    %lt3A_12 = vector.broadcast %lt3A : i32 to vector<224x512xi32>
    %lt3A_13 = arith.cmpi slt, %broadcast_in_dim3A_9, %lt3A_12 : vector<224x512xi32>
    %add3A = arith.constant 128 : i32
    %add3A_14 = vector.broadcast %add3A : i32 to vector<224x512xi32>
    %add3A_15 = arith.addi %broadcast_in_dim3A_9, %add3A_14 : vector<224x512xi32>
    %select_n3A = arith.select %lt3A_13, %add3A_15, %broadcast_in_dim3A_9 : vector<224x512xi1>, vector<224x512xi32>
    %reshape3A_16 = vector.shape_cast %select_n3A : vector<224x512xi32> to vector<224x512x1xi32>
    %gather3A = vector.shape_cast %reshape3A_16 : vector<224x512x1xi32> to vector<224x512xi32>
    %gather3A_17 = tpu.dynamic_gather %slice3A[%gather3A] in [1] : vector<224x128xf32>, vector<224x512xi32> -> vector<224x512xf32>
    %slice3A_18 = vector.extract_strided_slice %reshape3A {offsets = [0, 128], sizes = [224, 128], strides = [1, 1]} : vector<224x512xf32> to vector<224x128xf32>
    %lt3A_19 = arith.constant 0 : i32
    %lt3A_20 = vector.broadcast %lt3A_19 : i32 to vector<224x512xi32>
    %lt3A_21 = arith.cmpi slt, %broadcast_in_dim3A_9, %lt3A_20 : vector<224x512xi32>
    %add3A_22 = arith.constant 128 : i32
    %add3A_23 = vector.broadcast %add3A_22 : i32 to vector<224x512xi32>
    %add3A_24 = arith.addi %broadcast_in_dim3A_9, %add3A_23 : vector<224x512xi32>
    %select_n3A_25 = arith.select %lt3A_21, %add3A_24, %broadcast_in_dim3A_9 : vector<224x512xi1>, vector<224x512xi32>
    %reshape3A_26 = vector.shape_cast %select_n3A_25 : vector<224x512xi32> to vector<224x512x1xi32>
    %gather3A_27 = vector.shape_cast %reshape3A_26 : vector<224x512x1xi32> to vector<224x512xi32>
    %gather3A_28 = tpu.dynamic_gather %slice3A_18[%gather3A_27] in [1] : vector<224x128xf32>, vector<224x512xi32> -> vector<224x512xf32>
    %eq3A = arith.constant 1 : i32
    %eq3A_29 = vector.broadcast %eq3A : i32 to vector<512xi32>
    %eq3A_30 = arith.cmpi eq, %shift_right_arithmetic3A_11, %eq3A_29 : vector<512xi32>
    %broadcast_in_dim3A_31 = vector.shape_cast %eq3A_30 : vector<512xi1> to vector<1x512xi1>
    %broadcast_in_dim3A_32 = vector.shape_cast %broadcast_in_dim3A_31 : vector<1x512xi1> to vector<1x512xi1>
    %broadcast_in_dim3A_33 = vector.broadcast %broadcast_in_dim3A_32 : vector<1x512xi1> to vector<224x512xi1>
    %select_n3A_34 = arith.select %broadcast_in_dim3A_33, %gather3A_28, %gather3A_17 : vector<224x512xi1>, vector<224x512xf32>
    %slice3A_35 = vector.extract_strided_slice %reshape3A {offsets = [0, 256], sizes = [224, 128], strides = [1, 1]} : vector<224x512xf32> to vector<224x128xf32>
    %lt3A_36 = arith.constant 0 : i32
    %lt3A_37 = vector.broadcast %lt3A_36 : i32 to vector<224x512xi32>
    %lt3A_38 = arith.cmpi slt, %broadcast_in_dim3A_9, %lt3A_37 : vector<224x512xi32>
    %add3A_39 = arith.constant 128 : i32
    %add3A_40 = vector.broadcast %add3A_39 : i32 to vector<224x512xi32>
    %add3A_41 = arith.addi %broadcast_in_dim3A_9, %add3A_40 : vector<224x512xi32>
    %select_n3A_42 = arith.select %lt3A_38, %add3A_41, %broadcast_in_dim3A_9 : vector<224x512xi1>, vector<224x512xi32>
    %reshape3A_43 = vector.shape_cast %select_n3A_42 : vector<224x512xi32> to vector<224x512x1xi32>
    %gather3A_44 = vector.shape_cast %reshape3A_43 : vector<224x512x1xi32> to vector<224x512xi32>
    %gather3A_45 = tpu.dynamic_gather %slice3A_35[%gather3A_44] in [1] : vector<224x128xf32>, vector<224x512xi32> -> vector<224x512xf32>
    %eq3A_46 = arith.constant 2 : i32
    %eq3A_47 = vector.broadcast %eq3A_46 : i32 to vector<512xi32>
    %eq3A_48 = arith.cmpi eq, %shift_right_arithmetic3A_11, %eq3A_47 : vector<512xi32>
    %broadcast_in_dim3A_49 = vector.shape_cast %eq3A_48 : vector<512xi1> to vector<1x512xi1>
    %broadcast_in_dim3A_50 = vector.shape_cast %broadcast_in_dim3A_49 : vector<1x512xi1> to vector<1x512xi1>
    %broadcast_in_dim3A_51 = vector.broadcast %broadcast_in_dim3A_50 : vector<1x512xi1> to vector<224x512xi1>
    %select_n3A_52 = arith.select %broadcast_in_dim3A_51, %gather3A_45, %select_n3A_34 : vector<224x512xi1>, vector<224x512xf32>
    %slice3A_53 = vector.extract_strided_slice %reshape3A {offsets = [0, 384], sizes = [224, 128], strides = [1, 1]} : vector<224x512xf32> to vector<224x128xf32>
    %lt3A_54 = arith.constant 0 : i32
    %lt3A_55 = vector.broadcast %lt3A_54 : i32 to vector<224x512xi32>
    %lt3A_56 = arith.cmpi slt, %broadcast_in_dim3A_9, %lt3A_55 : vector<224x512xi32>
    %add3A_57 = arith.constant 128 : i32
    %add3A_58 = vector.broadcast %add3A_57 : i32 to vector<224x512xi32>
    %add3A_59 = arith.addi %broadcast_in_dim3A_9, %add3A_58 : vector<224x512xi32>
    %select_n3A_60 = arith.select %lt3A_56, %add3A_59, %broadcast_in_dim3A_9 : vector<224x512xi1>, vector<224x512xi32>
    %reshape3A_61 = vector.shape_cast %select_n3A_60 : vector<224x512xi32> to vector<224x512x1xi32>
    %gather3A_62 = vector.shape_cast %reshape3A_61 : vector<224x512x1xi32> to vector<224x512xi32>
    %gather3A_63 = tpu.dynamic_gather %slice3A_53[%gather3A_62] in [1] : vector<224x128xf32>, vector<224x512xi32> -> vector<224x512xf32>
    %eq3A_64 = arith.constant 3 : i32
    %eq3A_65 = vector.broadcast %eq3A_64 : i32 to vector<512xi32>
    %eq3A_66 = arith.cmpi eq, %shift_right_arithmetic3A_11, %eq3A_65 : vector<512xi32>
    %broadcast_in_dim3A_67 = vector.shape_cast %eq3A_66 : vector<512xi1> to vector<1x512xi1>
    %broadcast_in_dim3A_68 = vector.shape_cast %broadcast_in_dim3A_67 : vector<1x512xi1> to vector<1x512xi1>
    %broadcast_in_dim3A_69 = vector.broadcast %broadcast_in_dim3A_68 : vector<1x512xi1> to vector<224x512xi1>
    %select_n3A_70 = arith.select %broadcast_in_dim3A_69, %gather3A_63, %select_n3A_52 : vector<224x512xi1>, vector<224x512xf32>
    %reshape3A_71 = vector.shape_cast %select_n3A_70 : vector<224x512xf32> to vector<1x28x8x512xf32>
    %swap3A = arith.constant 0 : index
    %swap3A_72 = arith.constant 0 : index
    %swap3A_73 = arith.constant 0 : index
    %swap3A_74 = arith.constant 0 : index
    %swap3A_75 = vector.load %arg3[%swap3A, %swap3A_72, %swap3A_73, %swap3A_74] : memref<1x28x8x512xf32, #tpu.memory_space<vmem>>, vector<1x28x8x512xf32>
    tpu.vector_store %arg3[%swap3A, %swap3A_72, %swap3A_73, %swap3A_74], %reshape3A_71 {strides = array<i32>} : memref<1x28x8x512xf32, #tpu.memory_space<vmem>>, vector<1x28x8x512xf32>,
    return
  }
  func.func @transform_0(%arg0: i32) -> (i32, i32, i32, i32) {
    %c0_i32 = arith.constant 0 : i32
    %c0_i32_0 = arith.constant 0 : i32
    %c0_i32_1 = arith.constant 0 : i32
    %c0_i32_2 = arith.constant 0 : i32
    return %arg0, %c0_i32, %c0_i32_0, %c0_i32_1 : i32, i32, i32, i32
  }
  func.func @transform_1(%arg0: i32) -> i32 {
    %c0_i32 = arith.constant 0 : i32
    %c0_i32_0 = arith.constant 0 : i32
    return %c0_i32 : i32
  }
  func.func @transform_2(%arg0: i32) -> (i32, i32, i32, i32) {
    %c0_i32 = arith.constant 0 : i32
    %c0_i32_0 = arith.constant 0 : i32
    %c0_i32_1 = arith.constant 0 : i32
    %c0_i32_2 = arith.constant 0 : i32
    return %arg0, %c0_i32, %c0_i32_0, %c0_i32_1 : i32, i32, i32, i32
  }
}

module attributes {stable_mosaic.version = 14 : i64} {
  func.func @body(%arg0: i32, %arg1: memref<1x56x56x256xf32, #tpu.memory_space<vmem>>, %arg2: memref<256xi32, #tpu.memory_space<vmem>>, %arg3: memref<1x56x56x256xf32, #tpu.memory_space<vmem>>) attributes {dimension_semantics = [#tpu.dimension_semantics<arbitrary>], iteration_bounds = array<i64: 8>, scalar_prefetch = 0 : i64, scratch_operands = 0 : i64, tpu.core_type = #tpu.core_type<tc>, window_params = [{transform_indices = @transform_0, window_bounds = array<i64: 1, 56, 56, 256>}, {pipeline_mode = #tpu.pipeline_mode<synchronous>, transform_indices = @transform_1, window_bounds = array<i64: 256>}, {transform_indices = @transform_2, window_bounds = array<i64: 1, 56, 56, 256>}]} {
    %get3A = arith.constant 0 : index
    %get3A_0 = arith.constant 0 : index
    %get3A_1 = arith.constant 0 : index
    %get3A_2 = arith.constant 0 : index
    %get3A_3 = vector.load %arg1[%get3A, %get3A_0, %get3A_1, %get3A_2] : memref<1x56x56x256xf32, #tpu.memory_space<vmem>>, vector<1x56x56x256xf32>
    %reshape3A = vector.shape_cast %get3A_3 : vector<1x56x56x256xf32> to vector<3136x256xf32>
    %get3A_4 = arith.constant 0 : index
    %get3A_5 = vector.load %arg2[%get3A_4] : memref<256xi32, #tpu.memory_space<vmem>>, vector<256xi32>
    %and3A = arith.constant 127 : i32
    %and3A_6 = vector.broadcast %and3A : i32 to vector<256xi32>
    %and3A_7 = arith.andi %get3A_5, %and3A_6 : vector<256xi32>
    %broadcast_in_dim3A = vector.shape_cast %and3A_7 : vector<256xi32> to vector<1x256xi32>
    %broadcast_in_dim3A_8 = vector.shape_cast %broadcast_in_dim3A : vector<1x256xi32> to vector<1x256xi32>
    %broadcast_in_dim3A_9 = vector.broadcast %broadcast_in_dim3A_8 : vector<1x256xi32> to vector<3136x256xi32>
    %shift_right_arithmetic3A = arith.constant 7 : i32
    %shift_right_arithmetic3A_10 = vector.broadcast %shift_right_arithmetic3A : i32 to vector<256xi32>
    %shift_right_arithmetic3A_11 = arith.shrsi %get3A_5, %shift_right_arithmetic3A_10 : vector<256xi32>
    %slice3A = vector.extract_strided_slice %reshape3A {offsets = [0, 0], sizes = [3136, 128], strides = [1, 1]} : vector<3136x256xf32> to vector<3136x128xf32>
    %lt3A = arith.constant 0 : i32
    %lt3A_12 = vector.broadcast %lt3A : i32 to vector<3136x256xi32>
    %lt3A_13 = arith.cmpi slt, %broadcast_in_dim3A_9, %lt3A_12 : vector<3136x256xi32>
    %add3A = arith.constant 128 : i32
    %add3A_14 = vector.broadcast %add3A : i32 to vector<3136x256xi32>
    %add3A_15 = arith.addi %broadcast_in_dim3A_9, %add3A_14 : vector<3136x256xi32>
    %select_n3A = arith.select %lt3A_13, %add3A_15, %broadcast_in_dim3A_9 : vector<3136x256xi1>, vector<3136x256xi32>
    %reshape3A_16 = vector.shape_cast %select_n3A : vector<3136x256xi32> to vector<3136x256x1xi32>
    %gather3A = vector.shape_cast %reshape3A_16 : vector<3136x256x1xi32> to vector<3136x256xi32>
    %gather3A_17 = tpu.dynamic_gather %slice3A[%gather3A] in [1] : vector<3136x128xf32>, vector<3136x256xi32> -> vector<3136x256xf32>
    %slice3A_18 = vector.extract_strided_slice %reshape3A {offsets = [0, 128], sizes = [3136, 128], strides = [1, 1]} : vector<3136x256xf32> to vector<3136x128xf32>
    %lt3A_19 = arith.constant 0 : i32
    %lt3A_20 = vector.broadcast %lt3A_19 : i32 to vector<3136x256xi32>
    %lt3A_21 = arith.cmpi slt, %broadcast_in_dim3A_9, %lt3A_20 : vector<3136x256xi32>
    %add3A_22 = arith.constant 128 : i32
    %add3A_23 = vector.broadcast %add3A_22 : i32 to vector<3136x256xi32>
    %add3A_24 = arith.addi %broadcast_in_dim3A_9, %add3A_23 : vector<3136x256xi32>
    %select_n3A_25 = arith.select %lt3A_21, %add3A_24, %broadcast_in_dim3A_9 : vector<3136x256xi1>, vector<3136x256xi32>
    %reshape3A_26 = vector.shape_cast %select_n3A_25 : vector<3136x256xi32> to vector<3136x256x1xi32>
    %gather3A_27 = vector.shape_cast %reshape3A_26 : vector<3136x256x1xi32> to vector<3136x256xi32>
    %gather3A_28 = tpu.dynamic_gather %slice3A_18[%gather3A_27] in [1] : vector<3136x128xf32>, vector<3136x256xi32> -> vector<3136x256xf32>
    %eq3A = arith.constant 1 : i32
    %eq3A_29 = vector.broadcast %eq3A : i32 to vector<256xi32>
    %eq3A_30 = arith.cmpi eq, %shift_right_arithmetic3A_11, %eq3A_29 : vector<256xi32>
    %broadcast_in_dim3A_31 = vector.shape_cast %eq3A_30 : vector<256xi1> to vector<1x256xi1>
    %broadcast_in_dim3A_32 = vector.shape_cast %broadcast_in_dim3A_31 : vector<1x256xi1> to vector<1x256xi1>
    %broadcast_in_dim3A_33 = vector.broadcast %broadcast_in_dim3A_32 : vector<1x256xi1> to vector<3136x256xi1>
    %select_n3A_34 = arith.select %broadcast_in_dim3A_33, %gather3A_28, %gather3A_17 : vector<3136x256xi1>, vector<3136x256xf32>
    %reshape3A_35 = vector.shape_cast %select_n3A_34 : vector<3136x256xf32> to vector<1x56x56x256xf32>
    %swap3A = arith.constant 0 : index
    %swap3A_36 = arith.constant 0 : index
    %swap3A_37 = arith.constant 0 : index
    %swap3A_38 = arith.constant 0 : index
    %swap3A_39 = vector.load %arg3[%swap3A, %swap3A_36, %swap3A_37, %swap3A_38] : memref<1x56x56x256xf32, #tpu.memory_space<vmem>>, vector<1x56x56x256xf32>
    tpu.vector_store %arg3[%swap3A, %swap3A_36, %swap3A_37, %swap3A_38], %reshape3A_35 {strides = array<i32>} : memref<1x56x56x256xf32, #tpu.memory_space<vmem>>, vector<1x56x56x256xf32>,
    return
  }
  func.func @transform_0(%arg0: i32) -> (i32, i32, i32, i32) {
    %c0_i32 = arith.constant 0 : i32
    %c0_i32_0 = arith.constant 0 : i32
    %c0_i32_1 = arith.constant 0 : i32
    %c0_i32_2 = arith.constant 0 : i32
    return %arg0, %c0_i32, %c0_i32_0, %c0_i32_1 : i32, i32, i32, i32
  }
  func.func @transform_1(%arg0: i32) -> i32 {
    %c0_i32 = arith.constant 0 : i32
    %c0_i32_0 = arith.constant 0 : i32
    return %c0_i32 : i32
  }
  func.func @transform_2(%arg0: i32) -> (i32, i32, i32, i32) {
    %c0_i32 = arith.constant 0 : i32
    %c0_i32_0 = arith.constant 0 : i32
    %c0_i32_1 = arith.constant 0 : i32
    %c0_i32_2 = arith.constant 0 : i32
    return %arg0, %c0_i32, %c0_i32_0, %c0_i32_1 : i32, i32, i32, i32
  }
}

module attributes {stable_mosaic.version = 14 : i64} {
  func.func @body(%arg0: i32, %arg1: memref<1x14x8x1024xf32, #tpu.memory_space<vmem>>, %arg2: memref<512xi32, #tpu.memory_space<vmem>>, %arg3: memref<1x14x8x512xf32, #tpu.memory_space<vmem>>) attributes {dimension_semantics = [#tpu.dimension_semantics<arbitrary>], iteration_bounds = array<i64: 14>, scalar_prefetch = 0 : i64, scratch_operands = 0 : i64, tpu.core_type = #tpu.core_type<tc>, window_params = [{transform_indices = @transform_0, window_bounds = array<i64: 1, 14, 8, 1024>}, {pipeline_mode = #tpu.pipeline_mode<synchronous>, transform_indices = @transform_1, window_bounds = array<i64: 512>}, {transform_indices = @transform_2, window_bounds = array<i64: 1, 14, 8, 512>}]} {
    %get3A = arith.constant 0 : index
    %get3A_0 = arith.constant 0 : index
    %get3A_1 = arith.constant 0 : index
    %get3A_2 = arith.constant 0 : index
    %get3A_3 = vector.load %arg1[%get3A, %get3A_0, %get3A_1, %get3A_2] : memref<1x14x8x1024xf32, #tpu.memory_space<vmem>>, vector<1x14x8x1024xf32>
    %reshape3A = vector.shape_cast %get3A_3 : vector<1x14x8x1024xf32> to vector<112x1024xf32>
    %get3A_4 = arith.constant 0 : index
    %get3A_5 = vector.load %arg2[%get3A_4] : memref<512xi32, #tpu.memory_space<vmem>>, vector<512xi32>
    %and3A = arith.constant 127 : i32
    %and3A_6 = vector.broadcast %and3A : i32 to vector<512xi32>
    %and3A_7 = arith.andi %get3A_5, %and3A_6 : vector<512xi32>
    %broadcast_in_dim3A = vector.shape_cast %and3A_7 : vector<512xi32> to vector<1x512xi32>
    %broadcast_in_dim3A_8 = vector.shape_cast %broadcast_in_dim3A : vector<1x512xi32> to vector<1x512xi32>
    %broadcast_in_dim3A_9 = vector.broadcast %broadcast_in_dim3A_8 : vector<1x512xi32> to vector<112x512xi32>
    %shift_right_arithmetic3A = arith.constant 7 : i32
    %shift_right_arithmetic3A_10 = vector.broadcast %shift_right_arithmetic3A : i32 to vector<512xi32>
    %shift_right_arithmetic3A_11 = arith.shrsi %get3A_5, %shift_right_arithmetic3A_10 : vector<512xi32>
    %slice3A = vector.extract_strided_slice %reshape3A {offsets = [0, 0], sizes = [112, 128], strides = [1, 1]} : vector<112x1024xf32> to vector<112x128xf32>
    %lt3A = arith.constant 0 : i32
    %lt3A_12 = vector.broadcast %lt3A : i32 to vector<112x512xi32>
    %lt3A_13 = arith.cmpi slt, %broadcast_in_dim3A_9, %lt3A_12 : vector<112x512xi32>
    %add3A = arith.constant 128 : i32
    %add3A_14 = vector.broadcast %add3A : i32 to vector<112x512xi32>
    %add3A_15 = arith.addi %broadcast_in_dim3A_9, %add3A_14 : vector<112x512xi32>
    %select_n3A = arith.select %lt3A_13, %add3A_15, %broadcast_in_dim3A_9 : vector<112x512xi1>, vector<112x512xi32>
    %reshape3A_16 = vector.shape_cast %select_n3A : vector<112x512xi32> to vector<112x512x1xi32>
    %gather3A = vector.shape_cast %reshape3A_16 : vector<112x512x1xi32> to vector<112x512xi32>
    %gather3A_17 = tpu.dynamic_gather %slice3A[%gather3A] in [1] : vector<112x128xf32>, vector<112x512xi32> -> vector<112x512xf32>
    %slice3A_18 = vector.extract_strided_slice %reshape3A {offsets = [0, 128], sizes = [112, 128], strides = [1, 1]} : vector<112x1024xf32> to vector<112x128xf32>
    %lt3A_19 = arith.constant 0 : i32
    %lt3A_20 = vector.broadcast %lt3A_19 : i32 to vector<112x512xi32>
    %lt3A_21 = arith.cmpi slt, %broadcast_in_dim3A_9, %lt3A_20 : vector<112x512xi32>
    %add3A_22 = arith.constant 128 : i32
    %add3A_23 = vector.broadcast %add3A_22 : i32 to vector<112x512xi32>
    %add3A_24 = arith.addi %broadcast_in_dim3A_9, %add3A_23 : vector<112x512xi32>
    %select_n3A_25 = arith.select %lt3A_21, %add3A_24, %broadcast_in_dim3A_9 : vector<112x512xi1>, vector<112x512xi32>
    %reshape3A_26 = vector.shape_cast %select_n3A_25 : vector<112x512xi32> to vector<112x512x1xi32>
    %gather3A_27 = vector.shape_cast %reshape3A_26 : vector<112x512x1xi32> to vector<112x512xi32>
    %gather3A_28 = tpu.dynamic_gather %slice3A_18[%gather3A_27] in [1] : vector<112x128xf32>, vector<112x512xi32> -> vector<112x512xf32>
    %eq3A = arith.constant 1 : i32
    %eq3A_29 = vector.broadcast %eq3A : i32 to vector<512xi32>
    %eq3A_30 = arith.cmpi eq, %shift_right_arithmetic3A_11, %eq3A_29 : vector<512xi32>
    %broadcast_in_dim3A_31 = vector.shape_cast %eq3A_30 : vector<512xi1> to vector<1x512xi1>
    %broadcast_in_dim3A_32 = vector.shape_cast %broadcast_in_dim3A_31 : vector<1x512xi1> to vector<1x512xi1>
    %broadcast_in_dim3A_33 = vector.broadcast %broadcast_in_dim3A_32 : vector<1x512xi1> to vector<112x512xi1>
    %select_n3A_34 = arith.select %broadcast_in_dim3A_33, %gather3A_28, %gather3A_17 : vector<112x512xi1>, vector<112x512xf32>
    %slice3A_35 = vector.extract_strided_slice %reshape3A {offsets = [0, 256], sizes = [112, 128], strides = [1, 1]} : vector<112x1024xf32> to vector<112x128xf32>
    %lt3A_36 = arith.constant 0 : i32
    %lt3A_37 = vector.broadcast %lt3A_36 : i32 to vector<112x512xi32>
    %lt3A_38 = arith.cmpi slt, %broadcast_in_dim3A_9, %lt3A_37 : vector<112x512xi32>
    %add3A_39 = arith.constant 128 : i32
    %add3A_40 = vector.broadcast %add3A_39 : i32 to vector<112x512xi32>
    %add3A_41 = arith.addi %broadcast_in_dim3A_9, %add3A_40 : vector<112x512xi32>
    %select_n3A_42 = arith.select %lt3A_38, %add3A_41, %broadcast_in_dim3A_9 : vector<112x512xi1>, vector<112x512xi32>
    %reshape3A_43 = vector.shape_cast %select_n3A_42 : vector<112x512xi32> to vector<112x512x1xi32>
    %gather3A_44 = vector.shape_cast %reshape3A_43 : vector<112x512x1xi32> to vector<112x512xi32>
    %gather3A_45 = tpu.dynamic_gather %slice3A_35[%gather3A_44] in [1] : vector<112x128xf32>, vector<112x512xi32> -> vector<112x512xf32>
    %eq3A_46 = arith.constant 2 : i32
    %eq3A_47 = vector.broadcast %eq3A_46 : i32 to vector<512xi32>
    %eq3A_48 = arith.cmpi eq, %shift_right_arithmetic3A_11, %eq3A_47 : vector<512xi32>
    %broadcast_in_dim3A_49 = vector.shape_cast %eq3A_48 : vector<512xi1> to vector<1x512xi1>
    %broadcast_in_dim3A_50 = vector.shape_cast %broadcast_in_dim3A_49 : vector<1x512xi1> to vector<1x512xi1>
    %broadcast_in_dim3A_51 = vector.broadcast %broadcast_in_dim3A_50 : vector<1x512xi1> to vector<112x512xi1>
    %select_n3A_52 = arith.select %broadcast_in_dim3A_51, %gather3A_45, %select_n3A_34 : vector<112x512xi1>, vector<112x512xf32>
    %slice3A_53 = vector.extract_strided_slice %reshape3A {offsets = [0, 384], sizes = [112, 128], strides = [1, 1]} : vector<112x1024xf32> to vector<112x128xf32>
    %lt3A_54 = arith.constant 0 : i32
    %lt3A_55 = vector.broadcast %lt3A_54 : i32 to vector<112x512xi32>
    %lt3A_56 = arith.cmpi slt, %broadcast_in_dim3A_9, %lt3A_55 : vector<112x512xi32>
    %add3A_57 = arith.constant 128 : i32
    %add3A_58 = vector.broadcast %add3A_57 : i32 to vector<112x512xi32>
    %add3A_59 = arith.addi %broadcast_in_dim3A_9, %add3A_58 : vector<112x512xi32>
    %select_n3A_60 = arith.select %lt3A_56, %add3A_59, %broadcast_in_dim3A_9 : vector<112x512xi1>, vector<112x512xi32>
    %reshape3A_61 = vector.shape_cast %select_n3A_60 : vector<112x512xi32> to vector<112x512x1xi32>
    %gather3A_62 = vector.shape_cast %reshape3A_61 : vector<112x512x1xi32> to vector<112x512xi32>
    %gather3A_63 = tpu.dynamic_gather %slice3A_53[%gather3A_62] in [1] : vector<112x128xf32>, vector<112x512xi32> -> vector<112x512xf32>
    %eq3A_64 = arith.constant 3 : i32
    %eq3A_65 = vector.broadcast %eq3A_64 : i32 to vector<512xi32>
    %eq3A_66 = arith.cmpi eq, %shift_right_arithmetic3A_11, %eq3A_65 : vector<512xi32>
    %broadcast_in_dim3A_67 = vector.shape_cast %eq3A_66 : vector<512xi1> to vector<1x512xi1>
    %broadcast_in_dim3A_68 = vector.shape_cast %broadcast_in_dim3A_67 : vector<1x512xi1> to vector<1x512xi1>
    %broadcast_in_dim3A_69 = vector.broadcast %broadcast_in_dim3A_68 : vector<1x512xi1> to vector<112x512xi1>
    %select_n3A_70 = arith.select %broadcast_in_dim3A_69, %gather3A_63, %select_n3A_52 : vector<112x512xi1>, vector<112x512xf32>
    %slice3A_71 = vector.extract_strided_slice %reshape3A {offsets = [0, 512], sizes = [112, 128], strides = [1, 1]} : vector<112x1024xf32> to vector<112x128xf32>
    %lt3A_72 = arith.constant 0 : i32
    %lt3A_73 = vector.broadcast %lt3A_72 : i32 to vector<112x512xi32>
    %lt3A_74 = arith.cmpi slt, %broadcast_in_dim3A_9, %lt3A_73 : vector<112x512xi32>
    %add3A_75 = arith.constant 128 : i32
    %add3A_76 = vector.broadcast %add3A_75 : i32 to vector<112x512xi32>
    %add3A_77 = arith.addi %broadcast_in_dim3A_9, %add3A_76 : vector<112x512xi32>
    %select_n3A_78 = arith.select %lt3A_74, %add3A_77, %broadcast_in_dim3A_9 : vector<112x512xi1>, vector<112x512xi32>
    %reshape3A_79 = vector.shape_cast %select_n3A_78 : vector<112x512xi32> to vector<112x512x1xi32>
    %gather3A_80 = vector.shape_cast %reshape3A_79 : vector<112x512x1xi32> to vector<112x512xi32>
    %gather3A_81 = tpu.dynamic_gather %slice3A_71[%gather3A_80] in [1] : vector<112x128xf32>, vector<112x512xi32> -> vector<112x512xf32>
    %eq3A_82 = arith.constant 4 : i32
    %eq3A_83 = vector.broadcast %eq3A_82 : i32 to vector<512xi32>
    %eq3A_84 = arith.cmpi eq, %shift_right_arithmetic3A_11, %eq3A_83 : vector<512xi32>
    %broadcast_in_dim3A_85 = vector.shape_cast %eq3A_84 : vector<512xi1> to vector<1x512xi1>
    %broadcast_in_dim3A_86 = vector.shape_cast %broadcast_in_dim3A_85 : vector<1x512xi1> to vector<1x512xi1>
    %broadcast_in_dim3A_87 = vector.broadcast %broadcast_in_dim3A_86 : vector<1x512xi1> to vector<112x512xi1>
    %select_n3A_88 = arith.select %broadcast_in_dim3A_87, %gather3A_81, %select_n3A_70 : vector<112x512xi1>, vector<112x512xf32>
    %slice3A_89 = vector.extract_strided_slice %reshape3A {offsets = [0, 640], sizes = [112, 128], strides = [1, 1]} : vector<112x1024xf32> to vector<112x128xf32>
    %lt3A_90 = arith.constant 0 : i32
    %lt3A_91 = vector.broadcast %lt3A_90 : i32 to vector<112x512xi32>
    %lt3A_92 = arith.cmpi slt, %broadcast_in_dim3A_9, %lt3A_91 : vector<112x512xi32>
    %add3A_93 = arith.constant 128 : i32
    %add3A_94 = vector.broadcast %add3A_93 : i32 to vector<112x512xi32>
    %add3A_95 = arith.addi %broadcast_in_dim3A_9, %add3A_94 : vector<112x512xi32>
    %select_n3A_96 = arith.select %lt3A_92, %add3A_95, %broadcast_in_dim3A_9 : vector<112x512xi1>, vector<112x512xi32>
    %reshape3A_97 = vector.shape_cast %select_n3A_96 : vector<112x512xi32> to vector<112x512x1xi32>
    %gather3A_98 = vector.shape_cast %reshape3A_97 : vector<112x512x1xi32> to vector<112x512xi32>
    %gather3A_99 = tpu.dynamic_gather %slice3A_89[%gather3A_98] in [1] : vector<112x128xf32>, vector<112x512xi32> -> vector<112x512xf32>
    %eq3A_100 = arith.constant 5 : i32
    %eq3A_101 = vector.broadcast %eq3A_100 : i32 to vector<512xi32>
    %eq3A_102 = arith.cmpi eq, %shift_right_arithmetic3A_11, %eq3A_101 : vector<512xi32>
    %broadcast_in_dim3A_103 = vector.shape_cast %eq3A_102 : vector<512xi1> to vector<1x512xi1>
    %broadcast_in_dim3A_104 = vector.shape_cast %broadcast_in_dim3A_103 : vector<1x512xi1> to vector<1x512xi1>
    %broadcast_in_dim3A_105 = vector.broadcast %broadcast_in_dim3A_104 : vector<1x512xi1> to vector<112x512xi1>
    %select_n3A_106 = arith.select %broadcast_in_dim3A_105, %gather3A_99, %select_n3A_88 : vector<112x512xi1>, vector<112x512xf32>
    %slice3A_107 = vector.extract_strided_slice %reshape3A {offsets = [0, 768], sizes = [112, 128], strides = [1, 1]} : vector<112x1024xf32> to vector<112x128xf32>
    %lt3A_108 = arith.constant 0 : i32
    %lt3A_109 = vector.broadcast %lt3A_108 : i32 to vector<112x512xi32>
    %lt3A_110 = arith.cmpi slt, %broadcast_in_dim3A_9, %lt3A_109 : vector<112x512xi32>
    %add3A_111 = arith.constant 128 : i32
    %add3A_112 = vector.broadcast %add3A_111 : i32 to vector<112x512xi32>
    %add3A_113 = arith.addi %broadcast_in_dim3A_9, %add3A_112 : vector<112x512xi32>
    %select_n3A_114 = arith.select %lt3A_110, %add3A_113, %broadcast_in_dim3A_9 : vector<112x512xi1>, vector<112x512xi32>
    %reshape3A_115 = vector.shape_cast %select_n3A_114 : vector<112x512xi32> to vector<112x512x1xi32>
    %gather3A_116 = vector.shape_cast %reshape3A_115 : vector<112x512x1xi32> to vector<112x512xi32>
    %gather3A_117 = tpu.dynamic_gather %slice3A_107[%gather3A_116] in [1] : vector<112x128xf32>, vector<112x512xi32> -> vector<112x512xf32>
    %eq3A_118 = arith.constant 6 : i32
    %eq3A_119 = vector.broadcast %eq3A_118 : i32 to vector<512xi32>
    %eq3A_120 = arith.cmpi eq, %shift_right_arithmetic3A_11, %eq3A_119 : vector<512xi32>
    %broadcast_in_dim3A_121 = vector.shape_cast %eq3A_120 : vector<512xi1> to vector<1x512xi1>
    %broadcast_in_dim3A_122 = vector.shape_cast %broadcast_in_dim3A_121 : vector<1x512xi1> to vector<1x512xi1>
    %broadcast_in_dim3A_123 = vector.broadcast %broadcast_in_dim3A_122 : vector<1x512xi1> to vector<112x512xi1>
    %select_n3A_124 = arith.select %broadcast_in_dim3A_123, %gather3A_117, %select_n3A_106 : vector<112x512xi1>, vector<112x512xf32>
    %slice3A_125 = vector.extract_strided_slice %reshape3A {offsets = [0, 896], sizes = [112, 128], strides = [1, 1]} : vector<112x1024xf32> to vector<112x128xf32>
    %lt3A_126 = arith.constant 0 : i32
    %lt3A_127 = vector.broadcast %lt3A_126 : i32 to vector<112x512xi32>
    %lt3A_128 = arith.cmpi slt, %broadcast_in_dim3A_9, %lt3A_127 : vector<112x512xi32>
    %add3A_129 = arith.constant 128 : i32
    %add3A_130 = vector.broadcast %add3A_129 : i32 to vector<112x512xi32>
    %add3A_131 = arith.addi %broadcast_in_dim3A_9, %add3A_130 : vector<112x512xi32>
    %select_n3A_132 = arith.select %lt3A_128, %add3A_131, %broadcast_in_dim3A_9 : vector<112x512xi1>, vector<112x512xi32>
    %reshape3A_133 = vector.shape_cast %select_n3A_132 : vector<112x512xi32> to vector<112x512x1xi32>
    %gather3A_134 = vector.shape_cast %reshape3A_133 : vector<112x512x1xi32> to vector<112x512xi32>
    %gather3A_135 = tpu.dynamic_gather %slice3A_125[%gather3A_134] in [1] : vector<112x128xf32>, vector<112x512xi32> -> vector<112x512xf32>
    %eq3A_136 = arith.constant 7 : i32
    %eq3A_137 = vector.broadcast %eq3A_136 : i32 to vector<512xi32>
    %eq3A_138 = arith.cmpi eq, %shift_right_arithmetic3A_11, %eq3A_137 : vector<512xi32>
    %broadcast_in_dim3A_139 = vector.shape_cast %eq3A_138 : vector<512xi1> to vector<1x512xi1>
    %broadcast_in_dim3A_140 = vector.shape_cast %broadcast_in_dim3A_139 : vector<1x512xi1> to vector<1x512xi1>
    %broadcast_in_dim3A_141 = vector.broadcast %broadcast_in_dim3A_140 : vector<1x512xi1> to vector<112x512xi1>
    %select_n3A_142 = arith.select %broadcast_in_dim3A_141, %gather3A_135, %select_n3A_124 : vector<112x512xi1>, vector<112x512xf32>
    %reshape3A_143 = vector.shape_cast %select_n3A_142 : vector<112x512xf32> to vector<1x14x8x512xf32>
    %swap3A = arith.constant 0 : index
    %swap3A_144 = arith.constant 0 : index
    %swap3A_145 = arith.constant 0 : index
    %swap3A_146 = arith.constant 0 : index
    %swap3A_147 = vector.load %arg3[%swap3A, %swap3A_144, %swap3A_145, %swap3A_146] : memref<1x14x8x512xf32, #tpu.memory_space<vmem>>, vector<1x14x8x512xf32>
    tpu.vector_store %arg3[%swap3A, %swap3A_144, %swap3A_145, %swap3A_146], %reshape3A_143 {strides = array<i32>} : memref<1x14x8x512xf32, #tpu.memory_space<vmem>>, vector<1x14x8x512xf32>,
    return
  }
  func.func @transform_0(%arg0: i32) -> (i32, i32, i32, i32) {
    %c0_i32 = arith.constant 0 : i32
    %c0_i32_0 = arith.constant 0 : i32
    %c0_i32_1 = arith.constant 0 : i32
    %c0_i32_2 = arith.constant 0 : i32
    return %arg0, %c0_i32, %c0_i32_0, %c0_i32_1 : i32, i32, i32, i32
  }
  func.func @transform_1(%arg0: i32) -> i32 {
    %c0_i32 = arith.constant 0 : i32
    %c0_i32_0 = arith.constant 0 : i32
    return %c0_i32 : i32
  }
  func.func @transform_2(%arg0: i32) -> (i32, i32, i32, i32) {
    %c0_i32 = arith.constant 0 : i32
    %c0_i32_0 = arith.constant 0 : i32
    %c0_i32_1 = arith.constant 0 : i32
    %c0_i32_2 = arith.constant 0 : i32
    return %arg0, %c0_i32, %c0_i32_0, %c0_i32_1 : i32, i32, i32, i32
  }
}

module attributes {stable_mosaic.version = 14 : i64} {
  func.func @body(%arg0: i32, %arg1: i32, %arg2: memref<8x56x56x768xf32, #tpu.memory_space<any>>, %arg3: memref<1x28x8x256xf32, #tpu.memory_space<vmem>>, %arg4: memref<1x28x8x256xf32, #tpu.memory_space<vmem>>, %arg5: memref<56x28xf32, #tpu.memory_space<vmem>>, %arg6: memref<8x1x56x256xf32, #tpu.memory_space<vmem>>) attributes {dimension_semantics = [#tpu.dimension_semantics<arbitrary>, #tpu.dimension_semantics<arbitrary>], iteration_bounds = array<i64: 2, 56>, scalar_prefetch = 0 : i64, scratch_operands = 0 : i64, tpu.core_type = #tpu.core_type<tc>, window_params = [{}, {transform_indices = @transform_1, window_bounds = array<i64: 1, 28, 8, 256>}, {transform_indices = @transform_2, window_bounds = array<i64: 1, 28, 8, 256>}, {pipeline_mode = #tpu.pipeline_mode<synchronous>, transform_indices = @transform_3, window_bounds = array<i64: 56, 28>}, {transform_indices = @transform_4, window_bounds = array<i64: 8, 1, 56, 256>}]} {
    %mul3A = arith.constant 27 : i32
    %mul3A_0 = arith.muli %arg1, %mul3A : i32
    %jit3A = arith.constant 55 : i32
    %eq3A = arith.constant 0 : i32
    %eq3A_1 = arith.cmpi eq, %jit3A, %eq3A : i32
    %jit3A_2 = arith.constant 1 : i32
    %select_n3A = arith.select %eq3A_1, %jit3A_2, %jit3A : i32
    %rem3A = arith.remsi %mul3A_0, %select_n3A : i32
    %ne3A = arith.constant 0 : i32
    %ne3A_3 = arith.cmpi ne, %rem3A, %ne3A : i32
    %lt3A = arith.constant 0 : i32
    %lt3A_4 = arith.cmpi slt, %rem3A, %lt3A : i32
    %lt3A_5 = arith.constant 0 : i32
    %lt3A_6 = arith.cmpi slt, %select_n3A, %lt3A_5 : i32
    %ne3A_7 = arith.xori %lt3A_4, %lt3A_6 : i1
    %and3A = arith.andi %ne3A_7, %ne3A_3 : i1
    %add3A = arith.addi %rem3A, %select_n3A : i32
    %select_n3A_8 = arith.select %and3A, %add3A, %rem3A : i32
    %convert_element_type3A = arith.sitofp %select_n3A_8 : i32 to f32
    %div3A = arith.constant 5.500000e+01 : f32
    %div3A_9 = arith.divf %convert_element_type3A, %div3A : f32
    %get3A = arith.constant 0 : index
    %get3A_10 = arith.constant 0 : index
    %get3A_11 = arith.constant 0 : index
    %get3A_12 = arith.constant 0 : index
    %get3A_13 = vector.load %arg3[%get3A, %get3A_10, %get3A_11, %get3A_12] : memref<1x28x8x256xf32, #tpu.memory_space<vmem>>, vector<1x28x8x256xf32>
    %get3A_14 = vector.shape_cast %get3A_13 : vector<1x28x8x256xf32> to vector<28x8x256xf32>
    %sub3A = arith.constant 1.000000e+00 : f32
    %sub3A_15 = arith.subf %sub3A, %div3A_9 : f32
    %mul3A_16 = vector.broadcast %sub3A_15 : f32 to vector<28x8x256xf32>
    %mul3A_17 = arith.mulf %get3A_14, %mul3A_16 : vector<28x8x256xf32>
    %get3A_18 = arith.constant 0 : index
    %get3A_19 = arith.constant 0 : index
    %get3A_20 = arith.constant 0 : index
    %get3A_21 = arith.constant 0 : index
    %get3A_22 = vector.load %arg4[%get3A_18, %get3A_19, %get3A_20, %get3A_21] : memref<1x28x8x256xf32, #tpu.memory_space<vmem>>, vector<1x28x8x256xf32>
    %get3A_23 = vector.shape_cast %get3A_22 : vector<1x28x8x256xf32> to vector<28x8x256xf32>
    %mul3A_24 = vector.broadcast %div3A_9 : f32 to vector<28x8x256xf32>
    %mul3A_25 = arith.mulf %get3A_23, %mul3A_24 : vector<28x8x256xf32>
    %add3A_26 = arith.addf %mul3A_17, %mul3A_25 : vector<28x8x256xf32>
    %get3A_27 = arith.constant 0 : index
    %get3A_28 = arith.constant 0 : index
    %get3A_29 = vector.load %arg5[%get3A_27, %get3A_28] : memref<56x28xf32, #tpu.memory_space<vmem>>, vector<56x28xf32>
    %dot_general3A = arith.constant dense<0.000000e+00> : vector<56x8x256xf32>
    %dot_general3A_30 = tpu.matmul %get3A_29, %add3A_26, %dot_general3A {dimension_numbers = #tpu.dot_dimension_numbers<[1], [0], [0], [1, 2], [0, 0, 1, 1, 1, 2], [], []>, transpose_lhs_hint = false} : vector<56x28xf32>, vector<28x8x256xf32>, vector<56x8x256xf32> -> vector<56x8x256xf32>
    %transpose3A = tpu.transpose %dot_general3A_30, [1, 0, 2] : vector<56x8x256xf32> -> vector<8x56x256xf32>
    %reshape3A = vector.shape_cast %transpose3A : vector<8x56x256xf32> to vector<8x1x56x256xf32>
    %swap3A = arith.constant 0 : index
    %swap3A_31 = arith.constant 0 : index
    %swap3A_32 = arith.constant 0 : index
    %swap3A_33 = arith.constant 0 : index
    %swap3A_34 = vector.load %arg6[%swap3A, %swap3A_31, %swap3A_32, %swap3A_33] : memref<8x1x56x256xf32, #tpu.memory_space<vmem>>, vector<8x1x56x256xf32>
    tpu.vector_store %arg6[%swap3A, %swap3A_31, %swap3A_32, %swap3A_33], %reshape3A {strides = array<i32>} : memref<8x1x56x256xf32, #tpu.memory_space<vmem>>, vector<8x1x56x256xf32>,
    return
  }
  func.func @transform_1(%arg0: i32, %arg1: i32) -> (i32, i32, i32, i32) {
    %mul3A = arith.constant 27 : i32
    %mul3A_0 = arith.muli %arg1, %mul3A : i32
    %jit3A = arith.constant 55 : i32
    %div3A = arith.divsi %mul3A_0, %jit3A : i32
    %sign3A = arith.constant 0 : i32
    %sign3A_1 = arith.cmpi sgt, %mul3A_0, %sign3A : i32
    %sign3A_2 = arith.extui %sign3A_1 : i1 to i32
    %sign3A_3 = arith.constant 0 : i32
    %sign3A_4 = arith.cmpi slt, %mul3A_0, %sign3A_3 : i32
    %sign3A_5 = arith.extui %sign3A_4 : i1 to i32
    %sign3A_6 = arith.subi %sign3A_2, %sign3A_5 : i32
    %sign3A_7 = arith.constant 0 : i32
    %sign3A_8 = arith.cmpi sgt, %jit3A, %sign3A_7 : i32
    %sign3A_9 = arith.extui %sign3A_8 : i1 to i32
    %sign3A_10 = arith.constant 0 : i32
    %sign3A_11 = arith.cmpi slt, %jit3A, %sign3A_10 : i32
    %sign3A_12 = arith.extui %sign3A_11 : i1 to i32
    %sign3A_13 = arith.subi %sign3A_9, %sign3A_12 : i32
    %ne3A = arith.cmpi ne, %sign3A_6, %sign3A_13 : i32
    %rem3A = arith.remsi %mul3A_0, %jit3A : i32
    %ne3A_14 = arith.constant 0 : i32
    %ne3A_15 = arith.cmpi ne, %rem3A, %ne3A_14 : i32
    %and3A = arith.andi %ne3A, %ne3A_15 : i1
    %sub3A = arith.constant 1 : i32
    %sub3A_16 = arith.subi %div3A, %sub3A : i32
    %select_n3A = arith.select %and3A, %sub3A_16, %div3A : i32
    %c0_i32 = arith.constant 0 : i32
    %c0_i32_17 = arith.constant 0 : i32
    %c0_i32_18 = arith.constant 0 : i32
    return %select_n3A, %c0_i32, %c0_i32_17, %arg0 : i32, i32, i32, i32
  }
  func.func @transform_2(%arg0: i32, %arg1: i32) -> (i32, i32, i32, i32) {
    %mul3A = arith.constant 27 : i32
    %mul3A_0 = arith.muli %arg1, %mul3A : i32
    %jit3A = arith.constant 55 : i32
    %div3A = arith.divsi %mul3A_0, %jit3A : i32
    %sign3A = arith.constant 0 : i32
    %sign3A_1 = arith.cmpi sgt, %mul3A_0, %sign3A : i32
    %sign3A_2 = arith.extui %sign3A_1 : i1 to i32
    %sign3A_3 = arith.constant 0 : i32
    %sign3A_4 = arith.cmpi slt, %mul3A_0, %sign3A_3 : i32
    %sign3A_5 = arith.extui %sign3A_4 : i1 to i32
    %sign3A_6 = arith.subi %sign3A_2, %sign3A_5 : i32
    %sign3A_7 = arith.constant 0 : i32
    %sign3A_8 = arith.cmpi sgt, %jit3A, %sign3A_7 : i32
    %sign3A_9 = arith.extui %sign3A_8 : i1 to i32
    %sign3A_10 = arith.constant 0 : i32
    %sign3A_11 = arith.cmpi slt, %jit3A, %sign3A_10 : i32
    %sign3A_12 = arith.extui %sign3A_11 : i1 to i32
    %sign3A_13 = arith.subi %sign3A_9, %sign3A_12 : i32
    %ne3A = arith.cmpi ne, %sign3A_6, %sign3A_13 : i32
    %rem3A = arith.remsi %mul3A_0, %jit3A : i32
    %ne3A_14 = arith.constant 0 : i32
    %ne3A_15 = arith.cmpi ne, %rem3A, %ne3A_14 : i32
    %and3A = arith.andi %ne3A, %ne3A_15 : i1
    %sub3A = arith.constant 1 : i32
    %sub3A_16 = arith.subi %div3A, %sub3A : i32
    %select_n3A = arith.select %and3A, %sub3A_16, %div3A : i32
    %add3A = arith.constant 1 : i32
    %add3A_17 = arith.addi %select_n3A, %add3A : i32
    %min3A = arith.constant 27 : i32
    %min3A_18 = arith.minsi %add3A_17, %min3A : i32
    %c0_i32 = arith.constant 0 : i32
    %c0_i32_19 = arith.constant 0 : i32
    %c0_i32_20 = arith.constant 0 : i32
    return %min3A_18, %c0_i32, %c0_i32_19, %arg0 : i32, i32, i32, i32
  }
  func.func @transform_3(%arg0: i32, %arg1: i32) -> (i32, i32) {
    %c0_i32 = arith.constant 0 : i32
    %c0_i32_0 = arith.constant 0 : i32
    %c0_i32_1 = arith.constant 0 : i32
    return %c0_i32, %c0_i32_0 : i32, i32
  }
  func.func @transform_4(%arg0: i32, %arg1: i32) -> (i32, i32, i32, i32) {
    %add3A = arith.constant 1 : i32
    %add3A_0 = arith.addi %add3A, %arg0 : i32
    %c0_i32 = arith.constant 0 : i32
    %c0_i32_1 = arith.constant 0 : i32
    %c0_i32_2 = arith.constant 0 : i32
    return %c0_i32, %arg1, %c0_i32_1, %add3A_0 : i32, i32, i32, i32
  }
}

module attributes {stable_mosaic.version = 14 : i64} {
  func.func @body(%arg0: i32, %arg1: memref<28x28x8x1024xf32, #tpu.memory_space<any>>, %arg2: memref<1x14x8x512xf32, #tpu.memory_space<vmem>>, %arg3: memref<1x14x8x512xf32, #tpu.memory_space<vmem>>, %arg4: memref<28x14xf32, #tpu.memory_space<vmem>>, %arg5: memref<1x28x8x512xf32, #tpu.memory_space<vmem>>) attributes {dimension_semantics = [#tpu.dimension_semantics<arbitrary>], iteration_bounds = array<i64: 28>, scalar_prefetch = 0 : i64, scratch_operands = 0 : i64, tpu.core_type = #tpu.core_type<tc>, window_params = [{}, {transform_indices = @transform_1, window_bounds = array<i64: 1, 14, 8, 512>}, {transform_indices = @transform_2, window_bounds = array<i64: 1, 14, 8, 512>}, {pipeline_mode = #tpu.pipeline_mode<synchronous>, transform_indices = @transform_3, window_bounds = array<i64: 28, 14>}, {transform_indices = @transform_4, window_bounds = array<i64: 1, 28, 8, 512>}]} {
    %mul3A = arith.constant 13 : i32
    %mul3A_0 = arith.muli %arg0, %mul3A : i32
    %jit3A = arith.constant 27 : i32
    %eq3A = arith.constant 0 : i32
    %eq3A_1 = arith.cmpi eq, %jit3A, %eq3A : i32
    %jit3A_2 = arith.constant 1 : i32
    %select_n3A = arith.select %eq3A_1, %jit3A_2, %jit3A : i32
    %rem3A = arith.remsi %mul3A_0, %select_n3A : i32
    %ne3A = arith.constant 0 : i32
    %ne3A_3 = arith.cmpi ne, %rem3A, %ne3A : i32
    %lt3A = arith.constant 0 : i32
    %lt3A_4 = arith.cmpi slt, %rem3A, %lt3A : i32
    %lt3A_5 = arith.constant 0 : i32
    %lt3A_6 = arith.cmpi slt, %select_n3A, %lt3A_5 : i32
    %ne3A_7 = arith.xori %lt3A_4, %lt3A_6 : i1
    %and3A = arith.andi %ne3A_7, %ne3A_3 : i1
    %add3A = arith.addi %rem3A, %select_n3A : i32
    %select_n3A_8 = arith.select %and3A, %add3A, %rem3A : i32
    %convert_element_type3A = arith.sitofp %select_n3A_8 : i32 to f32
    %div3A = arith.constant 2.700000e+01 : f32
    %div3A_9 = arith.divf %convert_element_type3A, %div3A : f32
    %get3A = arith.constant 0 : index
    %get3A_10 = arith.constant 0 : index
    %get3A_11 = arith.constant 0 : index
    %get3A_12 = arith.constant 0 : index
    %get3A_13 = vector.load %arg2[%get3A, %get3A_10, %get3A_11, %get3A_12] : memref<1x14x8x512xf32, #tpu.memory_space<vmem>>, vector<1x14x8x512xf32>
    %get3A_14 = vector.shape_cast %get3A_13 : vector<1x14x8x512xf32> to vector<14x8x512xf32>
    %sub3A = arith.constant 1.000000e+00 : f32
    %sub3A_15 = arith.subf %sub3A, %div3A_9 : f32
    %mul3A_16 = vector.broadcast %sub3A_15 : f32 to vector<14x8x512xf32>
    %mul3A_17 = arith.mulf %get3A_14, %mul3A_16 : vector<14x8x512xf32>
    %get3A_18 = arith.constant 0 : index
    %get3A_19 = arith.constant 0 : index
    %get3A_20 = arith.constant 0 : index
    %get3A_21 = arith.constant 0 : index
    %get3A_22 = vector.load %arg3[%get3A_18, %get3A_19, %get3A_20, %get3A_21] : memref<1x14x8x512xf32, #tpu.memory_space<vmem>>, vector<1x14x8x512xf32>
    %get3A_23 = vector.shape_cast %get3A_22 : vector<1x14x8x512xf32> to vector<14x8x512xf32>
    %mul3A_24 = vector.broadcast %div3A_9 : f32 to vector<14x8x512xf32>
    %mul3A_25 = arith.mulf %get3A_23, %mul3A_24 : vector<14x8x512xf32>
    %add3A_26 = arith.addf %mul3A_17, %mul3A_25 : vector<14x8x512xf32>
    %get3A_27 = arith.constant 0 : index
    %get3A_28 = arith.constant 0 : index
    %get3A_29 = vector.load %arg4[%get3A_27, %get3A_28] : memref<28x14xf32, #tpu.memory_space<vmem>>, vector<28x14xf32>
    %dot_general3A = arith.constant dense<0.000000e+00> : vector<28x8x512xf32>
    %dot_general3A_30 = tpu.matmul %get3A_29, %add3A_26, %dot_general3A {dimension_numbers = #tpu.dot_dimension_numbers<[1], [0], [0], [1, 2], [0, 0, 1, 1, 1, 2], [], []>, transpose_lhs_hint = false} : vector<28x14xf32>, vector<14x8x512xf32>, vector<28x8x512xf32> -> vector<28x8x512xf32>
    %reshape3A = vector.shape_cast %dot_general3A_30 : vector<28x8x512xf32> to vector<1x28x8x512xf32>
    %swap3A = arith.constant 0 : index
    %swap3A_31 = arith.constant 0 : index
    %swap3A_32 = arith.constant 0 : index
    %swap3A_33 = arith.constant 0 : index
    %swap3A_34 = vector.load %arg5[%swap3A, %swap3A_31, %swap3A_32, %swap3A_33] : memref<1x28x8x512xf32, #tpu.memory_space<vmem>>, vector<1x28x8x512xf32>
    tpu.vector_store %arg5[%swap3A, %swap3A_31, %swap3A_32, %swap3A_33], %reshape3A {strides = array<i32>} : memref<1x28x8x512xf32, #tpu.memory_space<vmem>>, vector<1x28x8x512xf32>,
    return
  }
  func.func @transform_1(%arg0: i32) -> (i32, i32, i32, i32) {
    %mul3A = arith.constant 13 : i32
    %mul3A_0 = arith.muli %arg0, %mul3A : i32
    %jit3A = arith.constant 27 : i32
    %div3A = arith.divsi %mul3A_0, %jit3A : i32
    %sign3A = arith.constant 0 : i32
    %sign3A_1 = arith.cmpi sgt, %mul3A_0, %sign3A : i32
    %sign3A_2 = arith.extui %sign3A_1 : i1 to i32
    %sign3A_3 = arith.constant 0 : i32
    %sign3A_4 = arith.cmpi slt, %mul3A_0, %sign3A_3 : i32
    %sign3A_5 = arith.extui %sign3A_4 : i1 to i32
    %sign3A_6 = arith.subi %sign3A_2, %sign3A_5 : i32
    %sign3A_7 = arith.constant 0 : i32
    %sign3A_8 = arith.cmpi sgt, %jit3A, %sign3A_7 : i32
    %sign3A_9 = arith.extui %sign3A_8 : i1 to i32
    %sign3A_10 = arith.constant 0 : i32
    %sign3A_11 = arith.cmpi slt, %jit3A, %sign3A_10 : i32
    %sign3A_12 = arith.extui %sign3A_11 : i1 to i32
    %sign3A_13 = arith.subi %sign3A_9, %sign3A_12 : i32
    %ne3A = arith.cmpi ne, %sign3A_6, %sign3A_13 : i32
    %rem3A = arith.remsi %mul3A_0, %jit3A : i32
    %ne3A_14 = arith.constant 0 : i32
    %ne3A_15 = arith.cmpi ne, %rem3A, %ne3A_14 : i32
    %and3A = arith.andi %ne3A, %ne3A_15 : i1
    %sub3A = arith.constant 1 : i32
    %sub3A_16 = arith.subi %div3A, %sub3A : i32
    %select_n3A = arith.select %and3A, %sub3A_16, %div3A : i32
    %c0_i32 = arith.constant 0 : i32
    %c0_i32_17 = arith.constant 0 : i32
    %c0_i32_18 = arith.constant 0 : i32
    %c0_i32_19 = arith.constant 0 : i32
    return %select_n3A, %c0_i32, %c0_i32_17, %c0_i32_18 : i32, i32, i32, i32
  }
  func.func @transform_2(%arg0: i32) -> (i32, i32, i32, i32) {
    %mul3A = arith.constant 13 : i32
    %mul3A_0 = arith.muli %arg0, %mul3A : i32
    %jit3A = arith.constant 27 : i32
    %div3A = arith.divsi %mul3A_0, %jit3A : i32
    %sign3A = arith.constant 0 : i32
    %sign3A_1 = arith.cmpi sgt, %mul3A_0, %sign3A : i32
    %sign3A_2 = arith.extui %sign3A_1 : i1 to i32
    %sign3A_3 = arith.constant 0 : i32
    %sign3A_4 = arith.cmpi slt, %mul3A_0, %sign3A_3 : i32
    %sign3A_5 = arith.extui %sign3A_4 : i1 to i32
    %sign3A_6 = arith.subi %sign3A_2, %sign3A_5 : i32
    %sign3A_7 = arith.constant 0 : i32
    %sign3A_8 = arith.cmpi sgt, %jit3A, %sign3A_7 : i32
    %sign3A_9 = arith.extui %sign3A_8 : i1 to i32
    %sign3A_10 = arith.constant 0 : i32
    %sign3A_11 = arith.cmpi slt, %jit3A, %sign3A_10 : i32
    %sign3A_12 = arith.extui %sign3A_11 : i1 to i32
    %sign3A_13 = arith.subi %sign3A_9, %sign3A_12 : i32
    %ne3A = arith.cmpi ne, %sign3A_6, %sign3A_13 : i32
    %rem3A = arith.remsi %mul3A_0, %jit3A : i32
    %ne3A_14 = arith.constant 0 : i32
    %ne3A_15 = arith.cmpi ne, %rem3A, %ne3A_14 : i32
    %and3A = arith.andi %ne3A, %ne3A_15 : i1
    %sub3A = arith.constant 1 : i32
    %sub3A_16 = arith.subi %div3A, %sub3A : i32
    %select_n3A = arith.select %and3A, %sub3A_16, %div3A : i32
    %add3A = arith.constant 1 : i32
    %add3A_17 = arith.addi %select_n3A, %add3A : i32
    %min3A = arith.constant 13 : i32
    %min3A_18 = arith.minsi %add3A_17, %min3A : i32
    %c0_i32 = arith.constant 0 : i32
    %c0_i32_19 = arith.constant 0 : i32
    %c0_i32_20 = arith.constant 0 : i32
    %c0_i32_21 = arith.constant 0 : i32
    return %min3A_18, %c0_i32, %c0_i32_19, %c0_i32_20 : i32, i32, i32, i32
  }
  func.func @transform_3(%arg0: i32) -> (i32, i32) {
    %c0_i32 = arith.constant 0 : i32
    %c0_i32_0 = arith.constant 0 : i32
    %c0_i32_1 = arith.constant 0 : i32
    return %c0_i32, %c0_i32_0 : i32, i32
  }
  func.func @transform_4(%arg0: i32) -> (i32, i32, i32, i32) {
    %c0_i32 = arith.constant 0 : i32
    %c0_i32_0 = arith.constant 0 : i32
    %c1_i32 = arith.constant 1 : i32
    %c0_i32_1 = arith.constant 0 : i32
    return %arg0, %c0_i32, %c0_i32_0, %c1_i32 : i32, i32, i32, i32
  }
}

</mosaic_0001>

<sc_bundles>
// kernel: kernel.8.cloned.1.call-start
scs
__scs_entry_jumppad:
0x0: {  	(pc) =	sbr.rel $0x88, $3  }
0x1: {  	(tag) =	ssettag $0x0;
	lr =	simm.s32 $0x1  }
0x2: {  	[smem:$0x3F9A] =	sst lr;
	_ =	strace $0xD0000000  }
0x3: {  	_ = 	snop  }
0x4: {  	_ = 	snop  }
0x5: {  	_ = 	snop  }
0x6: {  	_ = 	snop  }
0x7: {  	_ = 	snop  }
__scs_overlays_trampoline_lowered:
0x8: {  	[smem:$0x3FA9] =	sst s0  }
0x9: {  	[smem:$0x3FAA] =	sst s1  }
0xa: {  	[smem:$0x3FAB] =	sst s2  }
0xb: {  	[smem:$0x3FAC] =	sst s3  }
0xc: {  	[smem:$0x3FAD] =	sst s4  }
0xd: {  	[smem:$0x3FAE] =	sst s5  }
0xe: {  	[smem:$0x3FAF] =	sst s6  }
0xf: {  	[smem:$0x3FB0] =	sst s7  }
0x10: {  	[smem:$0x3FB1] =	sst s8  }
0x11: {  	[smem:$0x3FB2] =	sst s9;
	s0 =	simm.s32 @!p0 $0x0  }
0x12: {  	s1 =	sld [smem:$0x3F98];
	s0 =	simm.s32 @p0 $0x1  }
0x13: {  	[smem:$0x3FB3] =	sst s0;
	s0 =	simm.s32 @!p1 $0x0  }
0x14: {  	s2 =	sld [smem:$0x3F97];
	s0 =	simm.s32 @p1 $0x1  }
0x15: {  	[smem:$0x3FB4] =	sst s0;
	s0 =	simm.s32 @!p2 $0x0  }
0x16: {  	s3 =	sld [smem:$0x3FDB];
	s0 =	simm.s32 @p2 $0x1  }
0x17: {  	s4 =	simm.s32 $0x1BF5;
	[smem:$0x3FB6] =	sst s0  }
0x18: {  	s0 =	sld [smem:$0x3F99];
	_ =	swait.ge [sflag:s4], $0x0  }
0x19: {  	s7 =	sld [smem:$0x3F9A]  }
0x1a: {  	s8 =	sadd.s32 $0xFFFFE003, lr  }
0x1b: {  	s9 =	sadd.s32 $0xFFFFFEF7, lr;
	s5 =	simm.s32 $0xFFFFFFFF;
	p2 =	slt.u32 s8, $0xFFFFF086  }
0x1c: {  	p1 =	slt.u32 s9, $0xF7A;
	s5 =	simm.s32 @!p2 $0x0  }
0x1d: {  	s5 =	simm.s32 @p1 $0x1;
	p0 =	seq.s32 s7, s2  }
0x1e: {  	s7 =	smul.u32 @!p0 $0xF7A, s2;
	p2 =	seq.s32 @!p0 s5, $0x0  }
0x1f: {  	s9 =	smul.u32 $0xF7A, s1;
	s8 =	simm.s32 @!p0 $0x1BF5;
	p2 =	por !p2, p0  }
0x20: {  	[sflag:s8] =	ssyncset.s32 @!p0 $0xFFFFF086;
	s6 =	sadd.s32 @!p0 s3, s7;
	s7 =	simm.s32 @!p0 $0x108  }
0x21: {  	s3 =	sadd.s32 s3, s9;
	s6 =	sadd.s32 @!p0 $0x88, s6;
	s7 =	simm.s32 @p2 $0x1082  }
0x22: {  	[simem:s7], [sflag:s8] =	dma.local @!p0 [hbm:s6], $0xF7A  }
0x23: {  	s9 =	sor.u32 $0xD0000000, s2;
	s6 =	simm.s32 $0x108;
	_ =	swait.ge @!p0 [sflag:s8], $0x0  }
0x24: {  	s3 =	sadd.s32 $0x88, s3;
	s6 =	simm.s32 @!p1 $0x1082;
	[sflag:s4] =	ssyncset.s32 $0xFFFFF086  }
0x25: {  	[simem:s6], [sflag:s4] =	dma.local [hbm:s3], $0xF7A  }
0x26: {  	[smem:$0x3F9A] =	sst s1;
	(tag) =	ssettag s2;
	_ =	strace s9  }
0x27: {  	s1 =	sld [smem:$0x3FAA]  }
0x28: {  	s2 =	sld [smem:$0x3FAB]  }
0x29: {  	s4 =	sld [smem:$0x3FAD]  }
0x2a: {  	p0 =	seq.s32 s5, $0x0;
	s5 =	sld [smem:$0x3FAE]  }
0x2b: {  	s6 =	sld [smem:$0x3FAF]  }
0x2c: {  	s7 =	sld [smem:$0x3FB0]  }
0x2d: {  	s3 =	simm.s32 $0x108;
	s8 =	sld [smem:$0x3FB1]  }
0x2e: {  	s3 =	simm.s32 @!p0 $0x1082;
	s9 =	sld [smem:$0x3FB2]  }
0x2f: {  	lr =	sadd.s32 s0, s3;
	s0 =	sld [smem:$0x3FA9]  }
0x30: {  	s3 =	sld [smem:$0x3FAC]  }
0x31: {  	[smem:$0x3FB5] =	sst s10  }
0x32: {  	s10 =	sld [smem:$0x3FB3];
	_ =	sdelay $0x3  }
0x33: {  	p0 =	seq.s32 s10, $0x1;
	s10 =	sld [smem:$0x3FB5];
	_ =	sdelay $0x3  }
0x34: {  	[smem:$0x3FB5] =	sst s10  }
0x35: {  	s10 =	sld [smem:$0x3FB4];
	_ =	sdelay $0x3  }
0x36: {  	p1 =	seq.s32 s10, $0x1;
	s10 =	sld [smem:$0x3FB5];
	_ =	sdelay $0x3  }
0x37: {  	[smem:$0x3FB5] =	sst s10  }
0x38: {  	s10 =	sld [smem:$0x3FB6]  }
0x39: {  	_ = 	snop;
	(pc) =	sbr.ind lr, $3  }
0x3a: {  	_ = 	snop  }
0x3b: {  	_ = 	snop  }
0x3c: {  	p2 =	seq.s32 s10, $0x1;
	s10 =	sld [smem:$0x3FB5]  }
0x3d: {  	_ =	shalt  }
0x3e: {  	_ =	shalt  }
0x3f: {  	_ =	shalt  }
0x40: {  	_ =	shalt  }
0x41: {  	_ =	shalt  }
0x42: {  	_ =	shalt  }
0x43: {  	_ =	shalt  }
0x44: {  	_ =	shalt  }
0x45: {  	_ =	shalt  }
0x46: {  	_ =	shalt  }
0x47: {  	_ =	shalt  }
0x48: {  	_ =	shalt  }
0x49: {  	_ =	shalt  }
0x4a: {  	_ =	shalt  }
0x4b: {  	_ =	shalt  }
0x4c: {  	_ =	shalt  }
0x4d: {  	_ =	shalt  }
0x4e: {  	_ =	shalt  }
0x4f: {  	_ =	shalt  }
0x50: {  	_ =	shalt  }
0x51: {  	_ =	shalt  }
0x52: {  	_ =	shalt  }
0x53: {  	_ =	shalt  }
0x54: {  	_ =	shalt  }
0x55: {  	_ =	shalt  }
0x56: {  	_ =	shalt  }
0x57: {  	_ =	shalt  }
0x58: {  	_ =	shalt  }
0x59: {  	_ =	shalt  }
0x5a: {  	_ =	shalt  }
0x5b: {  	_ =	shalt  }
0x5c: {  	_ =	shalt  }
0x5d: {  	_ =	shalt  }
0x5e: {  	_ =	shalt  }
0x5f: {  	_ =	shalt  }
0x60: {  	_ =	shalt  }
0x61: {  	_ =	shalt  }
0x62: {  	_ =	shalt  }
0x63: {  	_ =	shalt  }
0x64: {  	_ =	shalt  }
0x65: {  	_ =	shalt  }
0x66: {  	_ =	shalt  }
0x67: {  	_ =	shalt  }
0x68: {  	_ =	shalt  }
0x69: {  	_ =	shalt  }
0x6a: {  	_ =	shalt  }
0x6b: {  	_ =	shalt  }
0x6c: {  	_ =	shalt  }
0x6d: {  	_ =	shalt  }
0x6e: {  	_ =	shalt  }
0x6f: {  	_ =	shalt  }
0x70: {  	_ =	shalt  }
0x71: {  	_ =	shalt  }
0x72: {  	_ =	shalt  }
0x73: {  	_ =	shalt  }
0x74: {  	_ =	shalt  }
0x75: {  	_ =	shalt  }
0x76: {  	_ =	shalt  }
0x77: {  	_ =	shalt  }
0x78: {  	_ =	shalt  }
0x79: {  	_ =	shalt  }
0x7a: {  	_ =	shalt  }
0x7b: {  	_ =	shalt  }
0x7c: {  	_ =	shalt  }
0x7d: {  	_ =	shalt  }
0x7e: {  	_ =	shalt  }
0x7f: {  	_ =	shalt  }
0x80: {  	_ =	shalt  }
0x81: {  	_ =	shalt  }
0x82: {  	_ =	shalt  }
0x83: {  	_ =	shalt  }
0x84: {  	_ =	shalt  }
0x85: {  	_ =	shalt  }
0x86: {  	_ =	shalt  }
0x87: {  	_ =	shalt  }
.Lfunc_end0:
.L_simem_size_0:
called_computation_lowered:
.L_overlay_start_0:
0x88: {  	s2 =	sld [smem:$0x3FD9]  }
0x89: {  	s3 =	sld [smem:$0x3FFE];
	_ =	sdelay $0x1  }
0x8a: {  	s1 =	srdreg.scid  }
0x8b: {  	s0 =	sand.u32 $0x1, s1  }
0x8c: {  	s14 =	sshll.u32 s0, $0xA;
	s2 =	sadd.s32 s3, s2  }
0x8d: {  	s2 =	sadd.s32 s2, s14  }
0x8e: {  	[smem:$0x3FC1] =	sst s2  }
0x8f: {  	_ = 	snop  }
0x90: {  	s2 =	sld [smem:$0x3FD0];
	_ =	sdelay $0x2  }
0x91: {  	s4 =	simm.s32 $0xA;
	s5 =	simm.s32 $0x10;
	s15 =	sld [smem:$0x3FC8]  }
0x92: {  	[smem:s5], [sflag:s4] =	dma.local [hbm:s2], $0x1  }
0x93: {  	_ =	swait.eq [sflag:s4], $0x1  }
0x94: {  	[sflag:s4] =	ssyncset.done $0x0  }
0x95: {  	[sflag:s4] =	ssyncadd.s32 $0xFFFFFFFF  }
0x96: {  	s16 =	sld [smem:$0x11];
	(tm) =	ssettm $0x1  }
0x97: {  	s17 =	sld [smem:$0x3FFB];
	_ =	sdelay $0x3  }
0x98: {  	_ =	strace s17  }
0x99: {  	s4 =	sld [smem:$0x3FFC];
	_ =	sdelay $0x3  }
0x9a: {  	_ =	strace s4  }
0x9b: {  	s4 =	sld [smem:$0x3FFD];
	_ =	sdelay $0x3  }
0x9c: {  	_ =	strace s4  }
0x9d: {  	_ =	strace $0x8FFFFFFF  }
0x9e: {  	s18 =	sld [smem:$0x3FDB];
	_ =	sdelay $0x1  }
0x9f: {  	s19 =	simm.s32 $_scs_section_size  }
0xa0: {  	s6 =	simm.s32 $_size__tile_overlayer_lowered;
	s7 =	simm.s32 $_tile_overlayer_lowered  }
0xa1: {  	s22 =	simm.s32 $0x1BFF;
	s21 =	sshll.u32 s7, $0x1;
	s4 =	sadd.s32 s19, s18  }
0xa2: {  	s8 =	simm.s32 $0x0;
	s20 =	sshll.u32 s6, $0x1;
	s6 =	sadd.s32 s21, s4  }
0xa3: {  	[timem:s8], [sflag:s22] =	dma.local [hbm:s6], s20  }
0xa4: {  	_ =	swait.ge [sflag:s22], s20  }
0xa5: {  	s5 =	ssub.s32 $0x0, s20;
	[sflag:s22] =	ssyncset.done $0x0  }
0xa6: {  	[sflag:s22] =	ssyncadd.s32 s5;
	_ =	sdelay $0x1  }
0xa7: {  	s23 =	simm.s32 $0x1B8B  }
0xa8: {  	_ =	swait.ge [sflag:s23], $0x1  }
0xa9: {  	[sflag:s23] =	ssyncset.done $0x0  }
0xaa: {  	s25 =	simm.s32 $0x1B8E;
	s24 =	sld [smem:$0x3FFE];
	[sflag:s23] =	ssyncadd.s32 $0xFFFFFFFF  }
0xab: {  	s26 =	simm.s32 $execute0_lowered;
	[smem:$0x3FD2] =	sst s25  }
0xac: {  	s6 =	sshll.u32 s26, $0x1;
	_ =	strace $0x80000046;
	[dreg:$0x1] =	wrdreg $0xFFFFFFFF  }
0xad: {  	s28 =	simm.s32 $_size_execute0_lowered;
	s4 =	sadd.s32 s4, s6;
	[dreg:$0x0] =	wrdreg $0x0  }
0xae: {  	s6 =	sshll.u32 s28, $0x1;
	[dreg:$0x2] =	wrdreg s4  }
0xaf: {  	[dreg:$0x3] =	wrdreg s6  }
0xb0: {  	[dreg:$0x4] =	wrdreg $0xC0  }
0xb1: {  	_ =	task [dreg:s8], $0x5FFFF  }
0xb2: {  	[dreg:$0x1] =	wrdreg $0xFFFFFFFF  }
0xb3: {  	[dreg:$0x0] =	wrdreg $0x60  }
0xb4: {  	[dreg:$0x2] =	wrdreg s15  }
0xb5: {  	[dreg:$0x3] =	wrdreg s24  }
0xb6: {  	[dreg:$0x4] =	wrdreg s16  }
0xb7: {  	[dreg:$0x5] =	wrdreg $0x9  }
0xb8: {  	_ =	task.clear_ibuf [dreg:s8], $0x6FFFF;
	_ =	strace $0x90000046  }
0xb9: {  	s29 =	simm.s32 $0x9;
	_ =	strace $0x80000048  }
0xba: {  	_ =	swait.ge [sflag:s29], $0x1  }
0xbb: {  	[sflag:s29] =	ssyncadd.s32 $0xFFFFFFFF  }
0xbc: {  	_ =	strace $0x90000048  }
0xbd: {  	_ =	sfence  }
0xbe: {  	s30 =	sld [smem:$0x0];
	_ =	sdelay $0x2  }
0xbf: {  	s31 =	sshll.u32 s1, $0xD;
	s1 =	sshrl.u32 s1, $0x2  }
0xc0: {  	s3 =	sand.u32 $0x4000, s31;
	s1 =	sadd.s32 s1, s30  }
0xc1: {  	s0 =	sor.u32 s3, s0;
	s1 =	sshll.u32 s1, $0x11  }
0xc2: {  	s0 =	sor.u32 s1, s0  }
0xc3: {  	s0 =	sadd.s32 $0x8F2B, s0  }
0xc4: {  	[sflag:s0] =	ssyncadd.remote.s32 $0x1  }
0xc5: {  	_ =	sfence.sel $0xFFFF  }
0xc6: {  	[dreg:$0x0] =	wrdreg $0xFFFFFFFF;
	(pc) =	sbr.abs _section_cstart, $3  }
0xc7: {  	[dreg:$0x1] =	wrdreg $0xFFFFFFFF  }
0xc8: {  	_ =	task.clear_ibuf [dreg:s8], $0x2FFFF;
	_ =	strace $0x9FFFFFFF  }
0xc9: {  	(tm) =	ssettm $0x7FFFFFFF  }
tec
execute0_lowered:
.L_overlay_start_1:
0x0: {  	(tag) =	ssettag $0x1  }
0x1: {  	s1 =	rddreg [dreg:$0x0]  }
0x2: {  	s5 =	rddreg [dreg:$0x1]  }
0x3: {  	s3 =	rddreg [dreg:$0x2]  }
0x4: {  	s0 =	rddreg [dreg:$0x3]  }
0x5: {  	s4 =	simm.s32 $0x0;
	s6 =	srdreg.scid;
	s2 =	stileid.u32  }
0x6: {  	s10 =	simm.s32 $0x19;
	s11 =	simm.s32 $0x2000;
	s12 =	simm.s32 $0x0  }
0x7: {  	[smem:$0x7FF] =	sst s4;
	s6 =	sand.u32 $0x1, s6;
	s7 =	sshll.u32 s2, $0x1  }
0x8: {  	s5 =	sadd.s32 $0x1A00, s5;
	s8 =	ssub.s32 $0x2, s6;
	s6 =	sor.u32 s6, s7  }
0x9: {  	p0 =	slt.u32 s2, $0x8;
	s31 =	sshrl.u32 s8, $0x1;
	s9 =	smul.u32 $0x18, s6  }
0xa: {  	_ =	strace $0x80000047;
	s6 =	smin.u32 s6, $0x10;
	s8 =	ssub.s32 s8, s31  }
0xb: {  	s10 =	simm.s32 @!p0 $0x18;
	s6 =	sadd.s32 s6, s9;
	s8 =	smax.u32 s8, $0x1  }
0xc: {  	s9 =	simm.s32 $0x1;
	s7 =	sadd.s32 s10, s6;
	s10 =	simm.s32 $0x1000  }
.LBB2_1:
0xd: {  	[tilespmem:s4], [sflag:$0x1] =	stream.linear.gather [hbm4b:s5+s4], $0x1000, $0x38;
	[tilespmem:$0x3000] =	vst v63  }
0xe: {  	_ =	swait.ge [sflag:s9], $0x1000  }
0xf: {  	[sflag:s9] =	ssyncset.done $0x0  }
0x10: {  	s13 =	smov.u32 s6;
	[sflag:s9] =	ssyncadd.s32 $0xFFFFF000  }
.LBB2_2:
0x11: {  	s14 =	sshll.u32 s13, $0x9  }
0x12: {  	s14 =	sand.u32 $0x1FFFFE00, s14  }
0x13: {  	s15 =	simm.s32 $0x0;
	s14 =	sadd.s32 s1, s14  }
0x14: {  	[tilespmem:s10], [sflag:$0x1] =	stream.linear.gather [hbm4b:s14+s15], $0x1000, $0x38;
	[tilespmem:$0x3000] =	vst v63  }
0x15: {  	_ =	swait.ge [sflag:s9], $0x1000  }
0x16: {  	[sflag:s9] =	ssyncset.done $0x0  }
0x17: {  	s14 =	simm.s32 $0x0;
	[sflag:s9] =	ssyncadd.s32 $0xFFFFF000  }
0x18: {  	v0 =	vld [tilespmem:s14+$0x0];
	_ =	sdelay $0x5  }
0x19: {  	v1 =	vld [tilespmem:s14+$0x10];
	_ =	sdelay $0x1  }
0x1a: {  	v0 =	vld.idx.msk [tilespmem:v0+s10+$0x0], $0xffff;
	_ =	sdelay $0x4  }
0x1b: {  	[tilespmem:s14+$0x2000] =	vst v0;
	v0 =	vld [tilespmem:s14+$0x20]  }
0x1c: {  	v1 =	vld.idx.msk [tilespmem:v1+s10+$0x0], $0xffff;
	_ =	sdelay $0x4  }
0x1d: {  	[tilespmem:s14+$0x2010] =	vst v1;
	v1 =	vld [tilespmem:s14+$0x30];
	_ =	sdelay $0x1  }
0x1e: {  	v0 =	vld.idx.msk [tilespmem:v0+s10+$0x0], $0xffff;
	_ =	sdelay $0x4  }
0x1f: {  	[tilespmem:s14+$0x2020] =	vst v0;
	v0 =	vld [tilespmem:s14+$0x40]  }
0x20: {  	v1 =	vld.idx.msk [tilespmem:v1+s10+$0x0], $0xffff;
	_ =	sdelay $0x4  }
0x21: {  	[tilespmem:s14+$0x2030] =	vst v1;
	v1 =	vld [tilespmem:s14+$0x50];
	_ =	sdelay $0x1  }
0x22: {  	v0 =	vld.idx.msk [tilespmem:v0+s10+$0x0], $0xffff;
	_ =	sdelay $0x4  }
0x23: {  	[tilespmem:s14+$0x2040] =	vst v0;
	v0 =	vld [tilespmem:s14+$0x60]  }
0x24: {  	v1 =	vld.idx.msk [tilespmem:v1+s10+$0x0], $0xffff;
	_ =	sdelay $0x4  }
0x25: {  	[tilespmem:s14+$0x2050] =	vst v1;
	v1 =	vld [tilespmem:s14+$0x70];
	_ =	sdelay $0x1  }
0x26: {  	v0 =	vld.idx.msk [tilespmem:v0+s10+$0x0], $0xffff;
	_ =	sdelay $0x4  }
0x27: {  	[tilespmem:s14+$0x2060] =	vst v0;
	v0 =	vld [tilespmem:s14+$0x80]  }
0x28: {  	v1 =	vld.idx.msk [tilespmem:v1+s10+$0x0], $0xffff;
	_ =	sdelay $0x4  }
0x29: {  	[tilespmem:s14+$0x2070] =	vst v1;
	v1 =	vld [tilespmem:s14+$0x90];
	_ =	sdelay $0x1  }
0x2a: {  	v0 =	vld.idx.msk [tilespmem:v0+s10+$0x0], $0xffff;
	_ =	sdelay $0x4  }
0x2b: {  	[tilespmem:s14+$0x2080] =	vst v0;
	v0 =	vld [tilespmem:s14+$0xA0]  }
0x2c: {  	v1 =	vld.idx.msk [tilespmem:v1+s10+$0x0], $0xffff;
	_ =	sdelay $0x4  }
0x2d: {  	[tilespmem:s14+$0x2090] =	vst v1;
	v1 =	vld [tilespmem:s14+$0xB0];
	_ =	sdelay $0x1  }
0x2e: {  	v0 =	vld.idx.msk [tilespmem:v0+s10+$0x0], $0xffff;
	_ =	sdelay $0x4  }
0x2f: {  	[tilespmem:s14+$0x20A0] =	vst v0;
	v0 =	vld [tilespmem:s14+$0xC0]  }
0x30: {  	v1 =	vld.idx.msk [tilespmem:v1+s10+$0x0], $0xffff;
	_ =	sdelay $0x4  }
0x31: {  	[tilespmem:s14+$0x20B0] =	vst v1;
	v1 =	vld [tilespmem:s14+$0xD0];
	_ =	sdelay $0x1  }
0x32: {  	v0 =	vld.idx.msk [tilespmem:v0+s10+$0x0], $0xffff;
	_ =	sdelay $0x4  }
0x33: {  	[tilespmem:s14+$0x20C0] =	vst v0;
	v0 =	vld [tilespmem:s14+$0xE0]  }
0x34: {  	v1 =	vld.idx.msk [tilespmem:v1+s10+$0x0], $0xffff;
	_ =	sdelay $0x4  }
0x35: {  	[tilespmem:s14+$0x20D0] =	vst v1;
	v1 =	vld [tilespmem:s14+$0xF0];
	_ =	sdelay $0x1  }
0x36: {  	v0 =	vld.idx.msk [tilespmem:v0+s10+$0x0], $0xffff;
	_ =	sdelay $0x4  }
0x37: {  	[tilespmem:s14+$0x20E0] =	vst v0;
	v0 =	vld [tilespmem:s14+$0x100]  }
0x38: {  	v1 =	vld.idx.msk [tilespmem:v1+s10+$0x0], $0xffff;
	_ =	sdelay $0x4  }
0x39: {  	[tilespmem:s14+$0x20F0] =	vst v1;
	v1 =	vld [tilespmem:s14+$0x110];
	_ =	sdelay $0x1  }
0x3a: {  	v0 =	vld.idx.msk [tilespmem:v0+s10+$0x0], $0xffff;
	_ =	sdelay $0x4  }
0x3b: {  	[tilespmem:s14+$0x2100] =	vst v0;
	v0 =	vld [tilespmem:s14+$0x120]  }
0x3c: {  	v1 =	vld.idx.msk [tilespmem:v1+s10+$0x0], $0xffff;
	_ =	sdelay $0x4  }
0x3d: {  	[tilespmem:s14+$0x2110] =	vst v1;
	v1 =	vld [tilespmem:s14+$0x130];
	_ =	sdelay $0x1  }
0x3e: {  	v0 =	vld.idx.msk [tilespmem:v0+s10+$0x0], $0xffff;
	_ =	sdelay $0x4  }
0x3f: {  	[tilespmem:s14+$0x2120] =	vst v0;
	v0 =	vld [tilespmem:s14+$0x140]  }
0x40: {  	v1 =	vld.idx.msk [tilespmem:v1+s10+$0x0], $0xffff;
	_ =	sdelay $0x4  }
0x41: {  	[tilespmem:s14+$0x2130] =	vst v1;
	v1 =	vld [tilespmem:s14+$0x150];
	_ =	sdelay $0x1  }
0x42: {  	v0 =	vld.idx.msk [tilespmem:v0+s10+$0x0], $0xffff;
	_ =	sdelay $0x4  }
0x43: {  	[tilespmem:s14+$0x2140] =	vst v0;
	v0 =	vld [tilespmem:s14+$0x160]  }
0x44: {  	v1 =	vld.idx.msk [tilespmem:v1+s10+$0x0], $0xffff;
	_ =	sdelay $0x4  }
0x45: {  	[tilespmem:s14+$0x2150] =	vst v1;
	v1 =	vld [tilespmem:s14+$0x170];
	_ =	sdelay $0x1  }
0x46: {  	v0 =	vld.idx.msk [tilespmem:v0+s10+$0x0], $0xffff;
	_ =	sdelay $0x4  }
0x47: {  	[tilespmem:s14+$0x2160] =	vst v0;
	v0 =	vld [tilespmem:s14+$0x180]  }
0x48: {  	v1 =	vld.idx.msk [tilespmem:v1+s10+$0x0], $0xffff;
	_ =	sdelay $0x4  }
0x49: {  	[tilespmem:s14+$0x2170] =	vst v1;
	v1 =	vld [tilespmem:s14+$0x190];
	_ =	sdelay $0x1  }
0x4a: {  	v0 =	vld.idx.msk [tilespmem:v0+s10+$0x0], $0xffff;
	_ =	sdelay $0x4  }
0x4b: {  	[tilespmem:s14+$0x2180] =	vst v0;
	v0 =	vld [tilespmem:s14+$0x1A0]  }
0x4c: {  	v1 =	vld.idx.msk [tilespmem:v1+s10+$0x0], $0xffff;
	_ =	sdelay $0x4  }
0x4d: {  	[tilespmem:s14+$0x2190] =	vst v1;
	v1 =	vld [tilespmem:s14+$0x1B0];
	_ =	sdelay $0x1  }
0x4e: {  	v0 =	vld.idx.msk [tilespmem:v0+s10+$0x0], $0xffff;
	_ =	sdelay $0x4  }
0x4f: {  	[tilespmem:s14+$0x21A0] =	vst v0;
	v0 =	vld [tilespmem:s14+$0x1C0]  }
0x50: {  	v1 =	vld.idx.msk [tilespmem:v1+s10+$0x0], $0xffff;
	_ =	sdelay $0x4  }
0x51: {  	[tilespmem:s14+$0x21B0] =	vst v1;
	v1 =	vld [tilespmem:s14+$0x1D0];
	_ =	sdelay $0x1  }
0x52: {  	v0 =	vld.idx.msk [tilespmem:v0+s10+$0x0], $0xffff;
	_ =	sdelay $0x4  }
0x53: {  	v2 =	vld [tilespmem:s14+$0x1E0];
	[tilespmem:s14+$0x21C0] =	vst v0  }
0x54: {  	v0 =	vld.idx.msk [tilespmem:v1+s10+$0x0], $0xffff;
	_ =	sdelay $0x4  }
0x55: {  	[tilespmem:s14+$0x21D0] =	vst v0;
	v0 =	vld [tilespmem:s14+$0x1F0];
	_ =	sdelay $0x1  }
0x56: {  	v1 =	vld.idx.msk [tilespmem:v2+s10+$0x0], $0xffff;
	_ =	sdelay $0x3  }
0x57: {  	s16 =	simm.s32 $0x200;
	s15 =	simm.s32 $0x1000  }
.LBB2_3:
0x58: {  	p0 =	sne.s32 s15, $0x3800;
	v2 =	vld [tilespmem:s16+$0x0];
	[tilespmem:s14+$0x21E0] =	vst v1  }
0x59: {  	v0 =	vld.idx.msk [tilespmem:v0+s10+$0x0], $0xffff;
	_ =	sdelay $0x5  }
0x5a: {  	v1 =	vld [tilespmem:s16+$0x10];
	[tilespmem:s14+$0x21F0] =	vst v0;
	s14 =	smov.u32 s16  }
0x5b: {  	v0 =	vld.idx.msk [tilespmem:v2+s10+$0x0], $0xffff;
	_ =	sdelay $0x5  }
0x5c: {  	[tilespmem:s14+$0x2000] =	vst v0;
	v0 =	vld [tilespmem:s14+$0x20]  }
0x5d: {  	v1 =	vld.idx.msk [tilespmem:v1+s10+$0x0], $0xffff;
	_ =	sdelay $0x5  }
0x5e: {  	[tilespmem:s14+$0x2010] =	vst v1;
	v1 =	vld [tilespmem:s14+$0x30]  }
0x5f: {  	v0 =	vld.idx.msk [tilespmem:v0+s10+$0x0], $0xffff;
	_ =	sdelay $0x5  }
0x60: {  	[tilespmem:s14+$0x2020] =	vst v0;
	v0 =	vld [tilespmem:s14+$0x40]  }
0x61: {  	v1 =	vld.idx.msk [tilespmem:v1+s10+$0x0], $0xffff;
	_ =	sdelay $0x5  }
0x62: {  	[tilespmem:s14+$0x2030] =	vst v1;
	v1 =	vld [tilespmem:s14+$0x50]  }
0x63: {  	v0 =	vld.idx.msk [tilespmem:v0+s10+$0x0], $0xffff;
	_ =	sdelay $0x5  }
0x64: {  	[tilespmem:s14+$0x2040] =	vst v0;
	v0 =	vld [tilespmem:s14+$0x60]  }
0x65: {  	v1 =	vld.idx.msk [tilespmem:v1+s10+$0x0], $0xffff;
	_ =	sdelay $0x5  }
0x66: {  	[tilespmem:s14+$0x2050] =	vst v1;
	v1 =	vld [tilespmem:s14+$0x70]  }
0x67: {  	v0 =	vld.idx.msk [tilespmem:v0+s10+$0x0], $0xffff;
	_ =	sdelay $0x5  }
0x68: {  	[tilespmem:s14+$0x2060] =	vst v0;
	v0 =	vld [tilespmem:s14+$0x80]  }
0x69: {  	v1 =	vld.idx.msk [tilespmem:v1+s10+$0x0], $0xffff;
	_ =	sdelay $0x5  }
0x6a: {  	[tilespmem:s14+$0x2070] =	vst v1;
	v1 =	vld [tilespmem:s14+$0x90]  }
0x6b: {  	v0 =	vld.idx.msk [tilespmem:v0+s10+$0x0], $0xffff;
	_ =	sdelay $0x5  }
0x6c: {  	[tilespmem:s14+$0x2080] =	vst v0;
	v0 =	vld [tilespmem:s14+$0xA0]  }
0x6d: {  	v1 =	vld.idx.msk [tilespmem:v1+s10+$0x0], $0xffff;
	_ =	sdelay $0x5  }
0x6e: {  	[tilespmem:s14+$0x2090] =	vst v1;
	v1 =	vld [tilespmem:s14+$0xB0]  }
0x6f: {  	v0 =	vld.idx.msk [tilespmem:v0+s10+$0x0], $0xffff;
	_ =	sdelay $0x5  }
0x70: {  	[tilespmem:s14+$0x20A0] =	vst v0;
	v0 =	vld [tilespmem:s14+$0xC0]  }
0x71: {  	v1 =	vld.idx.msk [tilespmem:v1+s10+$0x0], $0xffff;
	_ =	sdelay $0x5  }
0x72: {  	[tilespmem:s14+$0x20B0] =	vst v1;
	v1 =	vld [tilespmem:s14+$0xD0]  }
0x73: {  	v0 =	vld.idx.msk [tilespmem:v0+s10+$0x0], $0xffff;
	_ =	sdelay $0x5  }
0x74: {  	[tilespmem:s14+$0x20C0] =	vst v0;
	v0 =	vld [tilespmem:s14+$0xE0]  }
0x75: {  	v1 =	vld.idx.msk [tilespmem:v1+s10+$0x0], $0xffff;
	_ =	sdelay $0x5  }
0x76: {  	[tilespmem:s14+$0x20D0] =	vst v1;
	v1 =	vld [tilespmem:s14+$0xF0]  }
0x77: {  	v0 =	vld.idx.msk [tilespmem:v0+s10+$0x0], $0xffff;
	_ =	sdelay $0x5  }
0x78: {  	[tilespmem:s14+$0x20E0] =	vst v0;
	v0 =	vld [tilespmem:s14+$0x100]  }
0x79: {  	v1 =	vld.idx.msk [tilespmem:v1+s10+$0x0], $0xffff;
	_ =	sdelay $0x5  }
0x7a: {  	[tilespmem:s14+$0x20F0] =	vst v1;
	v1 =	vld [tilespmem:s14+$0x110]  }
0x7b: {  	v0 =	vld.idx.msk [tilespmem:v0+s10+$0x0], $0xffff;
	_ =	sdelay $0x5  }
0x7c: {  	[tilespmem:s14+$0x2100] =	vst v0;
	v0 =	vld [tilespmem:s14+$0x120]  }
0x7d: {  	v1 =	vld.idx.msk [tilespmem:v1+s10+$0x0], $0xffff;
	_ =	sdelay $0x5  }
0x7e: {  	[tilespmem:s14+$0x2110] =	vst v1;
	v1 =	vld [tilespmem:s14+$0x130]  }
0x7f: {  	v0 =	vld.idx.msk [tilespmem:v0+s10+$0x0], $0xffff;
	_ =	sdelay $0x5  }
0x80: {  	[tilespmem:s14+$0x2120] =	vst v0;
	v0 =	vld [tilespmem:s14+$0x140]  }
0x81: {  	v1 =	vld.idx.msk [tilespmem:v1+s10+$0x0], $0xffff;
	_ =	sdelay $0x5  }
0x82: {  	[tilespmem:s14+$0x2130] =	vst v1;
	v1 =	vld [tilespmem:s14+$0x150]  }
0x83: {  	v0 =	vld.idx.msk [tilespmem:v0+s10+$0x0], $0xffff;
	_ =	sdelay $0x5  }
0x84: {  	[tilespmem:s14+$0x2140] =	vst v0;
	v0 =	vld [tilespmem:s14+$0x160]  }
0x85: {  	v1 =	vld.idx.msk [tilespmem:v1+s10+$0x0], $0xffff;
	_ =	sdelay $0x5  }
0x86: {  	[tilespmem:s14+$0x2150] =	vst v1;
	v1 =	vld [tilespmem:s14+$0x170]  }
0x87: {  	v0 =	vld.idx.msk [tilespmem:v0+s10+$0x0], $0xffff;
	_ =	sdelay $0x5  }
0x88: {  	[tilespmem:s14+$0x2160] =	vst v0;
	v0 =	vld [tilespmem:s14+$0x180]  }
0x89: {  	v1 =	vld.idx.msk [tilespmem:v1+s10+$0x0], $0xffff;
	_ =	sdelay $0x5  }
0x8a: {  	[tilespmem:s14+$0x2170] =	vst v1;
	v1 =	vld [tilespmem:s14+$0x190]  }
0x8b: {  	v0 =	vld.idx.msk [tilespmem:v0+s10+$0x0], $0xffff;
	_ =	sdelay $0x5  }
0x8c: {  	[tilespmem:s14+$0x2180] =	vst v0;
	v0 =	vld [tilespmem:s14+$0x1A0]  }
0x8d: {  	v1 =	vld.idx.msk [tilespmem:v1+s10+$0x0], $0xffff;
	_ =	sdelay $0x5  }
0x8e: {  	[tilespmem:s14+$0x2190] =	vst v1;
	v1 =	vld [tilespmem:s14+$0x1B0]  }
0x8f: {  	v0 =	vld.idx.msk [tilespmem:v0+s10+$0x0], $0xffff;
	_ =	sdelay $0x5  }
0x90: {  	[tilespmem:s14+$0x21A0] =	vst v0;
	v0 =	vld [tilespmem:s14+$0x1C0]  }
0x91: {  	v1 =	vld.idx.msk [tilespmem:v1+s10+$0x0], $0xffff;
	_ =	sdelay $0x5  }
0x92: {  	[tilespmem:s14+$0x21B0] =	vst v1;
	v1 =	vld [tilespmem:s14+$0x1D0]  }
0x93: {  	v0 =	vld.idx.msk [tilespmem:v0+s10+$0x0], $0xffff;
	_ =	sdelay $0x5  }
0x94: {  	[tilespmem:s14+$0x21C0] =	vst v0;
	v2 =	vld [tilespmem:s14+$0x1E0]  }
0x95: {  	v0 =	vld.idx.msk [tilespmem:v1+s10+$0x0], $0xffff;
	_ =	sdelay $0x5  }
0x96: {  	[tilespmem:s14+$0x21D0] =	vst v0;
	v0 =	vld [tilespmem:s14+$0x1F0]  }
0x97: {  	v1 =	vld.idx.msk [tilespmem:v2+s10+$0x0], $0xffff  }
.Ltmp0:
0x98: {  	(pc) =	sbr.rel @p0 .LBB2_3-.Ltmp0, $2  }
0x99: {  	_ =	sdelay $0x2  }
0x9a: {  	s16 =	sshra.s32 s15, $0x2;
	s15 =	sadd.s32 $0x800, s15  }
0x9b: {  	_ =	sdelay $0x1  }
0x9c: {  	v2 =	vld [tilespmem:s16+$0x0]  }
0x9d: {  	[tilespmem:s14+$0x21E0] =	vst v1  }
0x9e: {  	v0 =	vld.idx.msk [tilespmem:v0+s10+$0x0], $0xffff;
	_ =	sdelay $0x3  }
0x9f: {  	v1 =	vld [tilespmem:s16+$0x10]  }
0xa0: {  	[tilespmem:s14+$0x21F0] =	vst v0  }
0xa1: {  	v0 =	vld.idx.msk [tilespmem:v2+s10+$0x0], $0xffff;
	_ =	sdelay $0x3  }
0xa2: {  	v34 =	vld [tilespmem:s16+$0x20]  }
0xa3: {  	[tilespmem:s16+$0x2000] =	vst v0  }
0xa4: {  	v1 =	vld.idx.msk [tilespmem:v1+s10+$0x0], $0xffff;
	_ =	sdelay $0x3  }
0xa5: {  	v35 =	vld [tilespmem:s16+$0x30]  }
0xa6: {  	[tilespmem:s16+$0x2010] =	vst v1  }
0xa7: {  	v0 =	vld.idx.msk [tilespmem:v34+s10+$0x0], $0xffff;
	_ =	sdelay $0x3  }
0xa8: {  	v36 =	vld [tilespmem:s16+$0x40]  }
0xa9: {  	[tilespmem:s16+$0x2020] =	vst v0  }
0xaa: {  	v1 =	vld.idx.msk [tilespmem:v35+s10+$0x0], $0xffff;
	_ =	sdelay $0x3  }
0xab: {  	v37 =	vld [tilespmem:s16+$0x50]  }
0xac: {  	[tilespmem:s16+$0x2030] =	vst v1  }
0xad: {  	v0 =	vld.idx.msk [tilespmem:v36+s10+$0x0], $0xffff;
	_ =	sdelay $0x3  }
0xae: {  	v38 =	vld [tilespmem:s16+$0x60]  }
0xaf: {  	[tilespmem:s16+$0x2040] =	vst v0  }
0xb0: {  	v1 =	vld.idx.msk [tilespmem:v37+s10+$0x0], $0xffff;
	_ =	sdelay $0x3  }
0xb1: {  	v39 =	vld [tilespmem:s16+$0x70]  }
0xb2: {  	[tilespmem:s16+$0x2050] =	vst v1  }
0xb3: {  	v0 =	vld.idx.msk [tilespmem:v38+s10+$0x0], $0xffff;
	_ =	sdelay $0x3  }
0xb4: {  	v40 =	vld [tilespmem:s16+$0x80]  }
0xb5: {  	[tilespmem:s16+$0x2060] =	vst v0  }
0xb6: {  	v1 =	vld.idx.msk [tilespmem:v39+s10+$0x0], $0xffff;
	_ =	sdelay $0x3  }
0xb7: {  	v41 =	vld [tilespmem:s16+$0x90]  }
0xb8: {  	[tilespmem:s16+$0x2070] =	vst v1  }
0xb9: {  	v0 =	vld.idx.msk [tilespmem:v40+s10+$0x0], $0xffff;
	_ =	sdelay $0x3  }
0xba: {  	v42 =	vld [tilespmem:s16+$0xA0]  }
0xbb: {  	[tilespmem:s16+$0x2080] =	vst v0  }
0xbc: {  	v1 =	vld.idx.msk [tilespmem:v41+s10+$0x0], $0xffff;
	_ =	sdelay $0x3  }
0xbd: {  	v43 =	vld [tilespmem:s16+$0xB0]  }
0xbe: {  	[tilespmem:s16+$0x2090] =	vst v1  }
0xbf: {  	v0 =	vld.idx.msk [tilespmem:v42+s10+$0x0], $0xffff;
	_ =	sdelay $0x3  }
0xc0: {  	v44 =	vld [tilespmem:s16+$0xC0]  }
0xc1: {  	[tilespmem:s16+$0x20A0] =	vst v0  }
0xc2: {  	v1 =	vld.idx.msk [tilespmem:v43+s10+$0x0], $0xffff;
	_ =	sdelay $0x3  }
0xc3: {  	v45 =	vld [tilespmem:s16+$0xD0]  }
0xc4: {  	[tilespmem:s16+$0x20B0] =	vst v1  }
0xc5: {  	v0 =	vld.idx.msk [tilespmem:v44+s10+$0x0], $0xffff;
	_ =	sdelay $0x3  }
0xc6: {  	v46 =	vld [tilespmem:s16+$0xE0]  }
0xc7: {  	[tilespmem:s16+$0x20C0] =	vst v0  }
0xc8: {  	v1 =	vld.idx.msk [tilespmem:v45+s10+$0x0], $0xffff;
	_ =	sdelay $0x3  }
0xc9: {  	v47 =	vld [tilespmem:s16+$0xF0]  }
0xca: {  	[tilespmem:s16+$0x20D0] =	vst v1  }
0xcb: {  	v0 =	vld.idx.msk [tilespmem:v46+s10+$0x0], $0xffff;
	_ =	sdelay $0x3  }
0xcc: {  	v48 =	vld [tilespmem:s16+$0x100]  }
0xcd: {  	[tilespmem:s16+$0x20E0] =	vst v0  }
0xce: {  	v1 =	vld.idx.msk [tilespmem:v47+s10+$0x0], $0xffff;
	_ =	sdelay $0x3  }
0xcf: {  	v49 =	vld [tilespmem:s16+$0x110]  }
0xd0: {  	[tilespmem:s16+$0x20F0] =	vst v1  }
0xd1: {  	v0 =	vld.idx.msk [tilespmem:v48+s10+$0x0], $0xffff;
	_ =	sdelay $0x3  }
0xd2: {  	v50 =	vld [tilespmem:s16+$0x120]  }
0xd3: {  	[tilespmem:s16+$0x2100] =	vst v0  }
0xd4: {  	v1 =	vld.idx.msk [tilespmem:v49+s10+$0x0], $0xffff;
	_ =	sdelay $0x3  }
0xd5: {  	v51 =	vld [tilespmem:s16+$0x130]  }
0xd6: {  	[tilespmem:s16+$0x2110] =	vst v1  }
0xd7: {  	v0 =	vld.idx.msk [tilespmem:v50+s10+$0x0], $0xffff;
	_ =	sdelay $0x3  }
0xd8: {  	v52 =	vld [tilespmem:s16+$0x140]  }
0xd9: {  	[tilespmem:s16+$0x2120] =	vst v0  }
0xda: {  	v1 =	vld.idx.msk [tilespmem:v51+s10+$0x0], $0xffff;
	_ =	sdelay $0x3  }
0xdb: {  	v53 =	vld [tilespmem:s16+$0x150]  }
0xdc: {  	[tilespmem:s16+$0x2130] =	vst v1  }
0xdd: {  	v0 =	vld.idx.msk [tilespmem:v52+s10+$0x0], $0xffff;
	_ =	sdelay $0x3  }
0xde: {  	v54 =	vld [tilespmem:s16+$0x160]  }
0xdf: {  	[tilespmem:s16+$0x2140] =	vst v0  }
0xe0: {  	v1 =	vld.idx.msk [tilespmem:v53+s10+$0x0], $0xffff;
	_ =	sdelay $0x3  }
0xe1: {  	v55 =	vld [tilespmem:s16+$0x170]  }
0xe2: {  	[tilespmem:s16+$0x2150] =	vst v1  }
0xe3: {  	v0 =	vld.idx.msk [tilespmem:v54+s10+$0x0], $0xffff;
	_ =	sdelay $0x3  }
0xe4: {  	v56 =	vld [tilespmem:s16+$0x180]  }
0xe5: {  	[tilespmem:s16+$0x2160] =	vst v0  }
0xe6: {  	v1 =	vld.idx.msk [tilespmem:v55+s10+$0x0], $0xffff;
	_ =	sdelay $0x3  }
0xe7: {  	v57 =	vld [tilespmem:s16+$0x190]  }
0xe8: {  	[tilespmem:s16+$0x2170] =	vst v1  }
0xe9: {  	v0 =	vld.idx.msk [tilespmem:v56+s10+$0x0], $0xffff;
	_ =	sdelay $0x3  }
0xea: {  	v58 =	vld [tilespmem:s16+$0x1A0]  }
0xeb: {  	[tilespmem:s16+$0x2180] =	vst v0  }
0xec: {  	v1 =	vld.idx.msk [tilespmem:v57+s10+$0x0], $0xffff;
	_ =	sdelay $0x3  }
0xed: {  	v59 =	vld [tilespmem:s16+$0x1B0]  }
0xee: {  	[tilespmem:s16+$0x2190] =	vst v1  }
0xef: {  	v0 =	vld.idx.msk [tilespmem:v58+s10+$0x0], $0xffff;
	_ =	sdelay $0x3  }
0xf0: {  	v60 =	vld [tilespmem:s16+$0x1C0]  }
0xf1: {  	[tilespmem:s16+$0x21A0] =	vst v0  }
0xf2: {  	v1 =	vld.idx.msk [tilespmem:v59+s10+$0x0], $0xffff;
	_ =	sdelay $0x3  }
0xf3: {  	v61 =	vld [tilespmem:s16+$0x1D0]  }
0xf4: {  	[tilespmem:s16+$0x21B0] =	vst v1  }
0xf5: {  	v0 =	vld.idx.msk [tilespmem:v60+s10+$0x0], $0xffff;
	_ =	sdelay $0x3  }
0xf6: {  	v62 =	vld [tilespmem:s16+$0x1E0]  }
0xf7: {  	[tilespmem:s16+$0x21C0] =	vst v0  }
0xf8: {  	v1 =	vld.idx.msk [tilespmem:v61+s10+$0x0], $0xffff;
	_ =	sdelay $0x3  }
0xf9: {  	v63 =	vld [tilespmem:s16+$0x1F0]  }
0xfa: {  	[tilespmem:s16+$0x21D0] =	vst v1  }
0xfb: {  	v0 =	vld.idx.msk [tilespmem:v62+s10+$0x0], $0xffff;
	_ =	sdelay $0x4  }
0xfc: {  	[tilespmem:s16+$0x21E0] =	vst v0  }
0xfd: {  	v0 =	vld.idx.msk [tilespmem:v63+s10+$0x0], $0xffff;
	_ =	sdelay $0x2  }
0xfe: {  	s31 =	sshll.u32 s13, $0xA;
	s13 =	sadd.s32 $0x1, s13  }
0xff: {  	p0 =	slt.u32 s13, s7;
	s14 =	sand.u32 $0x1FFFFC00, s31  }
.Ltmp1:
0x100: {  	s14 =	sadd.s32 s3, s14;
	[tilespmem:s16+$0x21F0] =	vst v0;
	(pc) =	sbr.rel @p0 .LBB2_2-.Ltmp1, $4  }
0x101: {  	[hbm4b:s14+s4] =	stream.linear.scatter [tilespmem:s11], [sflag:$0x1], $0x1000, $0x38;
	[tilespmem:$0x3000] =	vst v63  }
0x102: {  	_ =	swait.ge [sflag:s9], $0x1000  }
0x103: {  	[sflag:s9] =	ssyncset.done $0x0  }
0x104: {  	[sflag:s9] =	ssyncadd.s32 $0xFFFFF000  }
0x105: {  	s12 =	sadd.s32 $0x1, s12  }
0x106: {  	p0 =	sne.s32 s12, s8  }
.Ltmp2:
0x107: {  	_ = 	snop;
	(pc) =	sbr.rel @p0 .LBB2_1-.Ltmp2, $1  }
0x108: {  	_ =	sdelay $0x3  }
0x109: {  	_ =	sfence.sel $0x180000  }
0x10a: {  	[bflag:$0x0] =	sbarrier.arrive $0xFFFF  }
0x10b: {  	p0 =	sne.s32 s2, $0x0;
	_ =	strace $0x90000047  }
0x10c: {  	s0 =	sadd.s32 @!p0 $0x100000, s0;
	[bflag:$0x2] =	sbarrier.arrive $0xFFFF  }
0x10d: {  	[sflag:s0] =	ssyncadd.tile.s32 @!p0 $0x1;
	_ =	shalt  }
.Lfunc_end2:
_tile_overlayer_lowered:
.L_overlay_start_2:
0x10e: {  	(tag) =	ssettag $0x2  }
0x10f: {  	s0 =	rddreg [dreg:$0x0];
	s2 =	stileid.u32  }
0x110: {  	s1 =	rddreg [dreg:$0x1];
	p0 =	sne.s32 s2, $0x0  }
0x111: {  	s3 =	rddreg [dreg:$0x2];
	[bflag:$0x3] =	sbarrier.arrive $0xFFFF;
	s2 =	simm.s32 @!p0 $0x1C01  }
0x112: {  	[timem:s3], [sflag:s2] =	dma.local @!p0 [hbm:s0], s1  }
0x113: {  	s0 =	simm.s32 @!p0 $0x1  }
0x114: {  	_ =	swait.ge @!p0 [sflag:s0], s1  }
0x115: {  	s1 =	ssub.s32 @!p0 $0x0, s1;
	[sflag:s0] =	ssyncset.done @!p0 $0x0  }
0x116: {  	[sflag:s0] =	ssyncadd.s32 @!p0 s1  }
0x117: {  	[bflag:$0x3] =	sbarrier.arrive $0xFFFF  }
0x118: {  	_ =	shalt  }

</sc_bundles>
